<compile_context>
chip_gen: v7x
topology: tpu7x:2x2x1
jax: 0.10.2.dev20260603
libtpu: 0.0.44.dev20260713+nightly
codegen_flags: <defaults>
</compile_context>

<pallas_src>
import jax
import jax.numpy as jnp
from jax import lax
from jax.experimental import pallas as pl
from jax.experimental.pallas import tpu as pltpu
from jax.experimental.pallas import tpu_sc as plsc

NCAM = 8
NID = 1000
NIDP = 1024
D = 512
N = 4096
MARGIN = 0.3
WARM_UP_EPOCHS = 5

FBLK = 512
SBLK = 1024
WBLK = 1024
T2_ROWS = N + 512
T2_BLK = T2_ROWS // NCAM


def _norm_tables_kernel(a_ref, f_ref, k_ref, an_ref, yy_ref, t2_ref,
                        anb_ref, fnb_ref, xx_ref, w_ref):
    a = a_ref[0]
    ss = jnp.sum(a * a, axis=1, keepdims=True)
    an = a / (jnp.sqrt(ss) + 1e-12)
    an_ref[0, :NID, :] = an
    an_ref[0, NID:, :] = jnp.zeros((NIDP - NID, D), jnp.float32)
    anp = an_ref[0]
    ones = jnp.ones((1, D), jnp.float32)
    yy = lax.dot_general(ones, anp * anp, (((1,), (1,)), ((), ())),
                         preferred_element_type=jnp.float32)
    colid = lax.broadcasted_iota(jnp.int32, (1, NIDP), 1)
    yy_ref[0] = jnp.where(colid >= NID, jnp.float32(1e9), yy)
    anb_ref[0] = anp.astype(jnp.bfloat16)
    f = f_ref[...]
    fss = jnp.sum(f * f, axis=1, keepdims=True)
    fn = f / (jnp.sqrt(fss) + 1e-12)
    fnb_ref[...] = fn.astype(jnp.bfloat16)
    xx_ref[...] = jnp.sum(fn * fn, axis=1, keepdims=True)
    t2_ref[:FBLK, :] = 0.5 * fn
    t2_ref[FBLK:, :] = jnp.zeros((T2_BLK - FBLK, D), jnp.float32)
    b = pl.program_id(0)
    kv = (b * WBLK + lax.broadcasted_iota(jnp.int32, (1, WBLK), 1)
          ).astype(jnp.float32)
    keys = k_ref[...]
    eq = keys == kv
    nidx = lax.broadcasted_iota(jnp.int32, (N, WBLK), 0).astype(jnp.float32)
    cand = jnp.where(eq, nidx, jnp.float32(-1.0))
    w_ref[0] = jnp.max(cand, axis=0, keepdims=True)


def _loss_kernel(an_ref, yy_ref, f_ref, xx_ref, lab_ref, cam_ref, loss_ref):
    i = pl.program_id(0)
    j = pl.program_id(1)

    @pl.when(jnp.logical_and(i == 0, j == 0))
    def _():
        loss_ref[0, 0] = jnp.float32(0.0)

    f = f_ref[...]
    a = an_ref[0]
    s = lax.dot_general(f, a, (((1,), (1,)), ((), ())),
                        preferred_element_type=jnp.float32)
    xx = xx_ref[...]
    tt = yy_ref[0] - 2.0 * s
    lab = lab_ref[...]
    col = lax.broadcasted_iota(jnp.int32, (SBLK, NIDP), 1).astype(jnp.float32)
    oneh = col == lab
    mn = jnp.min(jnp.where(oneh, jnp.float32(1e30), tt), axis=1,
                 keepdims=True)
    tl = jnp.sum(jnp.where(oneh, tt, jnp.float32(0.0)), axis=1,
                 keepdims=True)
    dn = jnp.maximum(xx + mn, jnp.float32(1e-12))
    dp = jnp.maximum(xx + tl, jnp.float32(1e-12))
    cam = cam_ref[...]
    hinge = jnp.maximum(dp - dn + jnp.float32(MARGIN), jnp.float32(0.0))
    contrib = jnp.where(cam == i.astype(jnp.float32), hinge,
                        jnp.float32(0.0))
    loss_ref[0, 0] += jnp.sum(contrib)


def _update_kernel(win_hbm, t2_hbm, outb_hbm, win_v, idx_v, buf, sem):
    c = lax.axis_index("c")
    s = lax.axis_index("s")
    wid = s * 2 + c
    cam = wid // 4
    lb = (wid % 4) * 256
    for ch in range(2):
        l0 = lb + ch * 128
        k0 = cam * NIDP + l0
        pltpu.sync_copy(win_hbm.at[pl.ds(k0, 128)], win_v)
        for v in range(8):
            w = win_v[pl.ds(v * 16, 16)]
            kv = k0 + v * 16 + lax.iota(jnp.int32, 16)
            has = w >= 0.0
            wi = w.astype(jnp.int32)
            wi = wi + (wi >> 9) * (T2_BLK - FBLK)
            jz = FBLK + T2_BLK * (kv & 7) + ((kv >> 3) & 63)
            idx_v[pl.ds(v * 16, 16)] = jnp.where(has, wi, jz)
        pltpu.async_copy(t2_hbm.at[idx_v], buf, sem).wait()
        r0 = cam * NID + l0
        last = jnp.logical_and(wid % 4 == 3, ch == 1)

        @pl.when(jnp.logical_not(last))
        def _():
            pltpu.sync_copy(buf, outb_hbm.at[pl.ds(r0, 128)])

        @pl.when(last)
        def _():
            pltpu.sync_copy(buf.at[pl.ds(0, NID - 896)],
                            outb_hbm.at[pl.ds(r0, NID - 896)])


def _combine_kernel(an_ref, win_ref, b_ref, out_ref):
    a = an_ref[0]
    w = win_ref[0]
    scale = jnp.where(w >= 0.0, jnp.float32(0.5), jnp.float32(1.0))
    rowa = a * scale
    out_ref[0] = rowa[:NID, :] + b_ref[...]


def _build_tables(intra_anchors, features, keys_f):
    return pl.pallas_call(
        _norm_tables_kernel,
        grid=(NCAM,),
        in_specs=[
            pl.BlockSpec((1, NID, D), lambda i: (i, 0, 0)),
            pl.BlockSpec((FBLK, D), lambda i: (i, 0)),
            pl.BlockSpec((N, 1), lambda i: (0, 0)),
        ],
        out_specs=[
            pl.BlockSpec((1, NIDP, D), lambda i: (i, 0, 0)),
            pl.BlockSpec((1, 1, NIDP), lambda i: (i, 0, 0)),
            pl.BlockSpec((T2_BLK, D), lambda i: (i, 0)),
            pl.BlockSpec((1, NIDP, D), lambda i: (i, 0, 0)),
            pl.BlockSpec((FBLK, D), lambda i: (i, 0)),
            pl.BlockSpec((FBLK, 1), lambda i: (i, 0)),
            pl.BlockSpec((1, 1, WBLK), lambda i: (i, 0, 0)),
        ],
        out_shape=[
            jax.ShapeDtypeStruct((NCAM, NIDP, D), jnp.float32),
            jax.ShapeDtypeStruct((NCAM, 1, NIDP), jnp.float32),
            jax.ShapeDtypeStruct((T2_ROWS, D), jnp.float32),
            jax.ShapeDtypeStruct((NCAM, NIDP, D), jnp.bfloat16),
            jax.ShapeDtypeStruct((N, D), jnp.bfloat16),
            jax.ShapeDtypeStruct((N, 1), jnp.float32),
            jax.ShapeDtypeStruct((NCAM, 1, WBLK), jnp.float32),
        ],
    )(intra_anchors, features, keys_f)


def _loss_sum(anb, yy, fnb, xx, labf, camf):
    return pl.pallas_call(
        _loss_kernel,
        grid=(NCAM, N // SBLK),
        in_specs=[
            pl.BlockSpec((1, NIDP, D), lambda i, j: (i, 0, 0)),
            pl.BlockSpec((1, 1, NIDP), lambda i, j: (i, 0, 0)),
            pl.BlockSpec((SBLK, D), lambda i, j: (j, 0)),
            pl.BlockSpec((SBLK, 1), lambda i, j: (j, 0)),
            pl.BlockSpec((SBLK, 1), lambda i, j: (j, 0)),
            pl.BlockSpec((SBLK, 1), lambda i, j: (j, 0)),
        ],
        out_specs=pl.BlockSpec((1, 1), lambda i, j: (0, 0),
                               memory_space=pltpu.SMEM),
        out_shape=jax.ShapeDtypeStruct((1, 1), jnp.float32),
    )(anb, yy, fnb, xx, labf, camf)


def _update_rows(winner_flat, t2):
    mesh = plsc.VectorSubcoreMesh(core_axis_name="c", subcore_axis_name="s")
    run = pl.kernel(
        _update_kernel,
        out_type=jax.ShapeDtypeStruct((NCAM * NID, D), jnp.float32),
        mesh=mesh,
        scratch_types=[
            pltpu.VMEM((128,), jnp.float32),
            pltpu.VMEM((128,), jnp.int32),
            pltpu.VMEM((128, D), jnp.float32),
            pltpu.SemaphoreType.DMA,
        ],
    )
    return run(winner_flat, t2)


def _combine(ann, winner_col, outb):
    return pl.pallas_call(
        _combine_kernel,
        grid=(NCAM,),
        in_specs=[
            pl.BlockSpec((1, NIDP, D), lambda i: (i, 0, 0)),
            pl.BlockSpec((1, NIDP, 1), lambda i: (i, 0, 0)),
            pl.BlockSpec((NID, D), lambda i: (i, 0)),
        ],
        out_specs=pl.BlockSpec((1, NID, D), lambda i: (i, 0, 0)),
        out_shape=jax.ShapeDtypeStruct((NCAM, NID, D), jnp.float32),
    )(ann, winner_col, outb)


def kernel(features, labels, cams, intra_anchors, cross_anchors, epoch):
    labels0 = (labels - 1).astype(jnp.int32)
    cams0 = (cams - 1).astype(jnp.int32)
    keys_f = (cams0 * NIDP + labels0).astype(jnp.float32).reshape(N, 1)
    labf = labels0.astype(jnp.float32).reshape(N, 1)
    camf = cams0.astype(jnp.float32).reshape(N, 1)

    ann, yy, t2, anb, fnb, xx, winner = _build_tables(
        intra_anchors, features, keys_f)

    def warm_fn(_):
        loss_sum = _loss_sum(anb, yy, fnb, xx, labf, camf)
        outb = _update_rows(winner.reshape(NCAM * NIDP), t2)
        new_anchors = _combine(ann, winner.reshape(NCAM, NIDP, 1), outb)
        loss = loss_sum[0, 0] * jnp.float32(1.0 / N)
        return loss, new_anchors

    def cold_fn(_):
        return jnp.float32(0.0), ann[:, :NID, :]

    warm = epoch <= WARM_UP_EPOCHS
    loss, new_anchors = lax.cond(warm, warm_fn, cold_fn, 0)
    return (loss, new_anchors, cross_anchors)

# --- scband reference (transcript-rebuilt; emitter-appended) ---
"""Pipeline reference for scband-intra-camera-21612275433688 (READ-ONLY COPY).

The authoritative reference and input builder live on the scoring server;
editing this copy changes nothing except your own understanding.
"""

import jax, jax.numpy as jnp
import numpy as np

NUM_CAMS = 8
NUM_IDS = 1000
D = 512
N = 4096
MARGIN = 0.3
ETA = 0.5
WARM_UP_EPOCHS = 5


def _normalize(x, axis=-1):
    return x / (jnp.linalg.norm(x, axis=axis, keepdims=True) + 1e-12)


def _sqdist(x, y):
    xx = jnp.sum(x * x, axis=1, keepdims=True)
    yy = jnp.sum(y * y, axis=1, keepdims=True).T
    d = xx + yy - 2.0 * (x @ y.T)
    return jnp.clip(d, 1e-12, None)


def setup_inputs(seed: int = 0):
    key = jax.random.key(seed)
    k1, k2, k3, k4, k5 = jax.random.split(key, 5)
    features = jax.random.normal(k1, (N, D), dtype=jnp.float32)
    labels = jax.random.randint(k2, (N,), 1, NUM_IDS + 1, dtype=jnp.int32)
    cams = jax.random.randint(k3, (N,), 1, NUM_CAMS + 1, dtype=jnp.int32)
    intra_anchors = jax.random.normal(k4, (NUM_CAMS, NUM_IDS, D), dtype=jnp.float32)
    cross_anchors = jax.random.normal(k5, (NUM_CAMS, NUM_IDS, D), dtype=jnp.float32)
    return {"features": features, "labels": labels, "cams": cams,
            "intra_anchors": intra_anchors, "cross_anchors": cross_anchors,
            "epoch": 3}


def reference(features, labels, cams, intra_anchors, cross_anchors, epoch):
    labels0 = labels - 1
    cams0 = cams - 1
    features_n = _normalize(features)
    intra_n = _normalize(intra_anchors)
    warm = epoch <= WARM_UP_EPOCHS
    dist_pos = jnp.zeros((N,), dtype=jnp.float32)
    dist_neg = jnp.zeros((N,), dtype=jnp.float32)
    new_anchors = []
    for i in range(NUM_CAMS):
        mask = cams0 == i
        anch_i = intra_n[i]
        gathered = anch_i[labels0]
        # per-sample squared distance to own anchor (euclidean_dist on [1,d]x[1,d])
        dp_i = jnp.clip(jnp.sum((features_n - gathered) ** 2, axis=1), 1e-12, None)
        # association ranking: top-2 nearest anchors
        dall = _sqdist(features_n, anch_i)
        vals, ranks = jax.lax.top_k(-dall, 2)
        non_match = labels0 != ranks[:, 0]
        dn_i = jnp.where(non_match, -vals[:, 0], -vals[:, 1])
        dist_pos = jnp.where(mask, dp_i, dist_pos)
        dist_neg = jnp.where(mask, dn_i, dist_neg)
        # anchor EMA update (all reads from pre-update anchors, scatter-overwrite)
        upd = gathered - ETA * (gathered - features_n)
        scatter_idx = jnp.where(mask, labels0, NUM_IDS)
        updated = anch_i.at[scatter_idx].set(upd, mode="drop")
        new_anchors.append(jnp.where(warm, updated, anch_i))
    order = jnp.argsort(cams0, stable=True)
    dp_all = dist_pos[order]
    dn_all = dist_neg[order]
    intra_loss_warm = jnp.mean(jax.nn.relu(dp_all - dn_all + MARGIN))
    intra_loss = jnp.where(warm, intra_loss_warm, jnp.float32(0.0))
    return (intra_loss, jnp.stack(new_anchors, axis=0), cross_anchors)

if __name__ == "__main__":
    import jax
    _d = setup_inputs()
    print(jax.jit(kernel)(*tuple(_d.values())))

</pallas_src>

<mosaic_0001>
#map = affine_map<(d0, d1) -> (0)>
#map1 = affine_map<(d0, d1) -> (0, 0)>
module attributes {stable_mosaic.version = 14 : i64} {
  func.func @_update_kernel(%arg0: i32, %arg1: i32, %arg2: memref<8192xf32, #tpu.memory_space<hbm>>, %arg3: memref<4608x512xf32, #tpu.memory_space<hbm>>, %arg4: memref<8000x512xf32, #tpu.memory_space<hbm>>, %arg5: memref<128xf32, #tpu.memory_space<vmem>>, %arg6: memref<128xi32, #tpu.memory_space<vmem>>, %arg7: memref<128x512xf32, #tpu.memory_space<vmem>>, %arg8: memref<!tpu.dma_semaphore, #tpu.memory_space<semaphore_mem>>) attributes {dimension_semantics = [#tpu.dimension_semantics<core_parallel>, #tpu.dimension_semantics<subcore_parallel>], iteration_bounds = array<i64: 2, 16>, scalar_prefetch = 0 : i64, scratch_operands = 4 : i64, tpu.core_type = #tpu.core_type<sc_vector_subcore>, window_params = [{transform_indices = #map}, {transform_indices = #map1}, {transform_indices = #map1}]} {
    %mul3A = arith.constant 2 : i32
    %mul3A_0 = arith.muli %arg1, %mul3A : i32
    %add3A = arith.addi %mul3A_0, %arg0 : i32
    %jit3A = arith.constant 4 : i32
    %div3A = arith.divsi %add3A, %jit3A : i32
    %sign3A = arith.constant 0 : i32
    %sign3A_1 = arith.cmpi sgt, %add3A, %sign3A : i32
    %sign3A_2 = arith.extui %sign3A_1 : i1 to i32
    %sign3A_3 = arith.constant 0 : i32
    %sign3A_4 = arith.cmpi slt, %add3A, %sign3A_3 : i32
    %sign3A_5 = arith.extui %sign3A_4 : i1 to i32
    %sign3A_6 = arith.subi %sign3A_2, %sign3A_5 : i32
    %sign3A_7 = arith.constant 0 : i32
    %sign3A_8 = arith.cmpi sgt, %jit3A, %sign3A_7 : i32
    %sign3A_9 = arith.extui %sign3A_8 : i1 to i32
    %sign3A_10 = arith.constant 0 : i32
    %sign3A_11 = arith.cmpi slt, %jit3A, %sign3A_10 : i32
    %sign3A_12 = arith.extui %sign3A_11 : i1 to i32
    %sign3A_13 = arith.subi %sign3A_9, %sign3A_12 : i32
    %ne3A = arith.cmpi ne, %sign3A_6, %sign3A_13 : i32
    %rem3A = arith.remsi %add3A, %jit3A : i32
    %ne3A_14 = arith.constant 0 : i32
    %ne3A_15 = arith.cmpi ne, %rem3A, %ne3A_14 : i32
    %and3A = arith.andi %ne3A, %ne3A_15 : i1
    %sub3A = arith.constant 1 : i32
    %sub3A_16 = arith.subi %div3A, %sub3A : i32
    %select_n3A = arith.select %and3A, %sub3A_16, %div3A : i32
    %jit3A_17 = arith.constant 4 : i32
    %eq3A = arith.constant 0 : i32
    %eq3A_18 = arith.cmpi eq, %jit3A_17, %eq3A : i32
    %jit3A_19 = arith.constant 1 : i32
    %select_n3A_20 = arith.select %eq3A_18, %jit3A_19, %jit3A_17 : i32
    %rem3A_21 = arith.remsi %add3A, %select_n3A_20 : i32
    %ne3A_22 = arith.constant 0 : i32
    %ne3A_23 = arith.cmpi ne, %rem3A_21, %ne3A_22 : i32
    %lt3A = arith.constant 0 : i32
    %lt3A_24 = arith.cmpi slt, %rem3A_21, %lt3A : i32
    %lt3A_25 = arith.constant 0 : i32
    %lt3A_26 = arith.cmpi slt, %select_n3A_20, %lt3A_25 : i32
    %ne3A_27 = arith.xori %lt3A_24, %lt3A_26 : i1
    %and3A_28 = arith.andi %ne3A_27, %ne3A_23 : i1
    %add3A_29 = arith.addi %rem3A_21, %select_n3A_20 : i32
    %select_n3A_30 = arith.select %and3A_28, %add3A_29, %rem3A_21 : i32
    %mul3A_31 = arith.constant 256 : i32
    %mul3A_32 = arith.muli %select_n3A_30, %mul3A_31 : i32
    %add3A_33 = arith.constant 0 : i32
    %add3A_34 = arith.addi %mul3A_32, %add3A_33 : i32
    %mul3A_35 = arith.constant 1024 : i32
    %mul3A_36 = arith.muli %select_n3A, %mul3A_35 : i32
    %add3A_37 = arith.addi %mul3A_36, %add3A_34 : i32
    "tpu.region"() ({
      %run_scoped3A = tpu.sem_alloc : memref<!tpu.dma_semaphore, #tpu.memory_space<semaphore_mem>>
      %dma_start3A_747 = tpu.memref_slice %arg2[%add3A_37] : memref<8192xf32, #tpu.memory_space<hbm>> -> memref<128xf32, #tpu.memory_space<hbm>>
      %dma_start3A_748 = tpu.memref_slice %arg2[%add3A_37] : memref<8192xf32, #tpu.memory_space<hbm>> -> memref<128xf32, #tpu.memory_space<hbm>>
      tpu.enqueue_dma source(%dma_start3A_748 : memref<128xf32, #tpu.memory_space<hbm>>) target(%arg5 : memref<128xf32, #tpu.memory_space<vmem>>) target_semaphore(%run_scoped3A : memref<!tpu.dma_semaphore, #tpu.memory_space<semaphore_mem>>)
      %dma_wait3A_749 = tpu.memref_slice %arg2[%add3A_37] : memref<8192xf32, #tpu.memory_space<hbm>> -> memref<128xf32, #tpu.memory_space<hbm>>
      %dma_wait3A_750 = tpu.memref_slice %arg2[%add3A_37] : memref<8192xf32, #tpu.memory_space<hbm>> -> memref<128xf32, #tpu.memory_space<hbm>>
      tpu.wait_dma2 semaphore(%run_scoped3A : memref<!tpu.dma_semaphore, #tpu.memory_space<semaphore_mem>>) src(%dma_wait3A_750 : memref<128xf32, #tpu.memory_space<hbm>>) dst(%arg5 : memref<128xf32, #tpu.memory_space<vmem>>)
      tpu.yield
    }) : () -> ()
    %get3A = arith.constant 0 : index
    %get3A_38 = tpu.vector_load %arg5[%get3A] {strides = array<i32>} : memref<128xf32, #tpu.memory_space<vmem>>, vector<16xf32>,
    %get3A_39 = vector.shape_cast %get3A_38 : vector<16xf32> to vector<16xf32>
    %add3A_40 = arith.constant 0 : i32
    %add3A_41 = arith.addi %add3A_37, %add3A_40 : i32
    %iota3A = tpu.iota {dimensions = array<i32: 0>} : vector<16xi32>
    %add3A_42 = vector.broadcast %add3A_41 : i32 to vector<16xi32>
    %add3A_43 = arith.addi %add3A_42, %iota3A : vector<16xi32>
    %ge3A = arith.constant 0.000000e+00 : f32
    %ge3A_44 = vector.broadcast %ge3A : f32 to vector<16xf32>
    %ge3A_45 = arith.cmpf oge, %get3A_39, %ge3A_44 : vector<16xf32>
    %convert_element_type3A = arith.fptosi %get3A_39 : vector<16xf32> to vector<16xi32>
    %shift_right_arithmetic3A = arith.constant 9 : i32
    %shift_right_arithmetic3A_46 = vector.broadcast %shift_right_arithmetic3A : i32 to vector<16xi32>
    %shift_right_arithmetic3A_47 = arith.shrsi %convert_element_type3A, %shift_right_arithmetic3A_46 : vector<16xi32>
    %mul3A_48 = arith.constant 64 : i32
    %mul3A_49 = vector.broadcast %mul3A_48 : i32 to vector<16xi32>
    %mul3A_50 = arith.muli %shift_right_arithmetic3A_47, %mul3A_49 : vector<16xi32>
    %add3A_51 = arith.addi %convert_element_type3A, %mul3A_50 : vector<16xi32>
    %and3A_52 = arith.constant 7 : i32
    %and3A_53 = vector.broadcast %and3A_52 : i32 to vector<16xi32>
    %and3A_54 = arith.andi %add3A_43, %and3A_53 : vector<16xi32>
    %mul3A_55 = arith.constant 576 : i32
    %mul3A_56 = vector.broadcast %mul3A_55 : i32 to vector<16xi32>
    %mul3A_57 = arith.muli %mul3A_56, %and3A_54 : vector<16xi32>
    %add3A_58 = arith.constant 512 : i32
    %add3A_59 = vector.broadcast %add3A_58 : i32 to vector<16xi32>
    %add3A_60 = arith.addi %add3A_59, %mul3A_57 : vector<16xi32>
    %shift_right_arithmetic3A_61 = arith.constant 3 : i32
    %shift_right_arithmetic3A_62 = vector.broadcast %shift_right_arithmetic3A_61 : i32 to vector<16xi32>
    %shift_right_arithmetic3A_63 = arith.shrsi %add3A_43, %shift_right_arithmetic3A_62 : vector<16xi32>
    %and3A_64 = arith.constant 63 : i32
    %and3A_65 = vector.broadcast %and3A_64 : i32 to vector<16xi32>
    %and3A_66 = arith.andi %shift_right_arithmetic3A_63, %and3A_65 : vector<16xi32>
    %add3A_67 = arith.addi %add3A_60, %and3A_66 : vector<16xi32>
    %select_n3A_68 = arith.select %ge3A_45, %add3A_51, %add3A_67 : vector<16xi1>, vector<16xi32>
    %swap3A = arith.constant 0 : index
    %swap3A_69 = tpu.vector_load %arg6[%swap3A] {strides = array<i32>} : memref<128xi32, #tpu.memory_space<vmem>>, vector<16xi32>,
    %swap3A_70 = vector.shape_cast %swap3A_69 : vector<16xi32> to vector<16xi32>
    %swap3A_71 = vector.shape_cast %select_n3A_68 : vector<16xi32> to vector<16xi32>
    tpu.vector_store %arg6[%swap3A], %swap3A_71 {strides = array<i32>} : memref<128xi32, #tpu.memory_space<vmem>>, vector<16xi32>,
    %get3A_72 = arith.constant 16 : index
    %get3A_73 = tpu.vector_load %arg5[%get3A_72] {strides = array<i32>} : memref<128xf32, #tpu.memory_space<vmem>>, vector<16xf32>,
    %get3A_74 = vector.shape_cast %get3A_73 : vector<16xf32> to vector<16xf32>
    %add3A_75 = arith.constant 16 : i32
    %add3A_76 = arith.addi %add3A_37, %add3A_75 : i32
    %iota3A_77 = tpu.iota {dimensions = array<i32: 0>} : vector<16xi32>
    %add3A_78 = vector.broadcast %add3A_76 : i32 to vector<16xi32>
    %add3A_79 = arith.addi %add3A_78, %iota3A_77 : vector<16xi32>
    %ge3A_80 = arith.constant 0.000000e+00 : f32
    %ge3A_81 = vector.broadcast %ge3A_80 : f32 to vector<16xf32>
    %ge3A_82 = arith.cmpf oge, %get3A_74, %ge3A_81 : vector<16xf32>
    %convert_element_type3A_83 = arith.fptosi %get3A_74 : vector<16xf32> to vector<16xi32>
    %shift_right_arithmetic3A_84 = arith.constant 9 : i32
    %shift_right_arithmetic3A_85 = vector.broadcast %shift_right_arithmetic3A_84 : i32 to vector<16xi32>
    %shift_right_arithmetic3A_86 = arith.shrsi %convert_element_type3A_83, %shift_right_arithmetic3A_85 : vector<16xi32>
    %mul3A_87 = arith.constant 64 : i32
    %mul3A_88 = vector.broadcast %mul3A_87 : i32 to vector<16xi32>
    %mul3A_89 = arith.muli %shift_right_arithmetic3A_86, %mul3A_88 : vector<16xi32>
    %add3A_90 = arith.addi %convert_element_type3A_83, %mul3A_89 : vector<16xi32>
    %and3A_91 = arith.constant 7 : i32
    %and3A_92 = vector.broadcast %and3A_91 : i32 to vector<16xi32>
    %and3A_93 = arith.andi %add3A_79, %and3A_92 : vector<16xi32>
    %mul3A_94 = arith.constant 576 : i32
    %mul3A_95 = vector.broadcast %mul3A_94 : i32 to vector<16xi32>
    %mul3A_96 = arith.muli %mul3A_95, %and3A_93 : vector<16xi32>
    %add3A_97 = arith.constant 512 : i32
    %add3A_98 = vector.broadcast %add3A_97 : i32 to vector<16xi32>
    %add3A_99 = arith.addi %add3A_98, %mul3A_96 : vector<16xi32>
    %shift_right_arithmetic3A_100 = arith.constant 3 : i32
    %shift_right_arithmetic3A_101 = vector.broadcast %shift_right_arithmetic3A_100 : i32 to vector<16xi32>
    %shift_right_arithmetic3A_102 = arith.shrsi %add3A_79, %shift_right_arithmetic3A_101 : vector<16xi32>
    %and3A_103 = arith.constant 63 : i32
    %and3A_104 = vector.broadcast %and3A_103 : i32 to vector<16xi32>
    %and3A_105 = arith.andi %shift_right_arithmetic3A_102, %and3A_104 : vector<16xi32>
    %add3A_106 = arith.addi %add3A_99, %and3A_105 : vector<16xi32>
    %select_n3A_107 = arith.select %ge3A_82, %add3A_90, %add3A_106 : vector<16xi1>, vector<16xi32>
    %swap3A_108 = arith.constant 16 : index
    %swap3A_109 = tpu.vector_load %arg6[%swap3A_108] {strides = array<i32>} : memref<128xi32, #tpu.memory_space<vmem>>, vector<16xi32>,
    %swap3A_110 = vector.shape_cast %swap3A_109 : vector<16xi32> to vector<16xi32>
    %swap3A_111 = vector.shape_cast %select_n3A_107 : vector<16xi32> to vector<16xi32>
    tpu.vector_store %arg6[%swap3A_108], %swap3A_111 {strides = array<i32>} : memref<128xi32, #tpu.memory_space<vmem>>, vector<16xi32>,
    %get3A_112 = arith.constant 32 : index
    %get3A_113 = tpu.vector_load %arg5[%get3A_112] {strides = array<i32>} : memref<128xf32, #tpu.memory_space<vmem>>, vector<16xf32>,
    %get3A_114 = vector.shape_cast %get3A_113 : vector<16xf32> to vector<16xf32>
    %add3A_115 = arith.constant 32 : i32
    %add3A_116 = arith.addi %add3A_37, %add3A_115 : i32
    %iota3A_117 = tpu.iota {dimensions = array<i32: 0>} : vector<16xi32>
    %add3A_118 = vector.broadcast %add3A_116 : i32 to vector<16xi32>
    %add3A_119 = arith.addi %add3A_118, %iota3A_117 : vector<16xi32>
    %ge3A_120 = arith.constant 0.000000e+00 : f32
    %ge3A_121 = vector.broadcast %ge3A_120 : f32 to vector<16xf32>
    %ge3A_122 = arith.cmpf oge, %get3A_114, %ge3A_121 : vector<16xf32>
    %convert_element_type3A_123 = arith.fptosi %get3A_114 : vector<16xf32> to vector<16xi32>
    %shift_right_arithmetic3A_124 = arith.constant 9 : i32
    %shift_right_arithmetic3A_125 = vector.broadcast %shift_right_arithmetic3A_124 : i32 to vector<16xi32>
    %shift_right_arithmetic3A_126 = arith.shrsi %convert_element_type3A_123, %shift_right_arithmetic3A_125 : vector<16xi32>
    %mul3A_127 = arith.constant 64 : i32
    %mul3A_128 = vector.broadcast %mul3A_127 : i32 to vector<16xi32>
    %mul3A_129 = arith.muli %shift_right_arithmetic3A_126, %mul3A_128 : vector<16xi32>
    %add3A_130 = arith.addi %convert_element_type3A_123, %mul3A_129 : vector<16xi32>
    %and3A_131 = arith.constant 7 : i32
    %and3A_132 = vector.broadcast %and3A_131 : i32 to vector<16xi32>
    %and3A_133 = arith.andi %add3A_119, %and3A_132 : vector<16xi32>
    %mul3A_134 = arith.constant 576 : i32
    %mul3A_135 = vector.broadcast %mul3A_134 : i32 to vector<16xi32>
    %mul3A_136 = arith.muli %mul3A_135, %and3A_133 : vector<16xi32>
    %add3A_137 = arith.constant 512 : i32
    %add3A_138 = vector.broadcast %add3A_137 : i32 to vector<16xi32>
    %add3A_139 = arith.addi %add3A_138, %mul3A_136 : vector<16xi32>
    %shift_right_arithmetic3A_140 = arith.constant 3 : i32
    %shift_right_arithmetic3A_141 = vector.broadcast %shift_right_arithmetic3A_140 : i32 to vector<16xi32>
    %shift_right_arithmetic3A_142 = arith.shrsi %add3A_119, %shift_right_arithmetic3A_141 : vector<16xi32>
    %and3A_143 = arith.constant 63 : i32
    %and3A_144 = vector.broadcast %and3A_143 : i32 to vector<16xi32>
    %and3A_145 = arith.andi %shift_right_arithmetic3A_142, %and3A_144 : vector<16xi32>
    %add3A_146 = arith.addi %add3A_139, %and3A_145 : vector<16xi32>
    %select_n3A_147 = arith.select %ge3A_122, %add3A_130, %add3A_146 : vector<16xi1>, vector<16xi32>
    %swap3A_148 = arith.constant 32 : index
    %swap3A_149 = tpu.vector_load %arg6[%swap3A_148] {strides = array<i32>} : memref<128xi32, #tpu.memory_space<vmem>>, vector<16xi32>,
    %swap3A_150 = vector.shape_cast %swap3A_149 : vector<16xi32> to vector<16xi32>
    %swap3A_151 = vector.shape_cast %select_n3A_147 : vector<16xi32> to vector<16xi32>
    tpu.vector_store %arg6[%swap3A_148], %swap3A_151 {strides = array<i32>} : memref<128xi32, #tpu.memory_space<vmem>>, vector<16xi32>,
    %get3A_152 = arith.constant 48 : index
    %get3A_153 = tpu.vector_load %arg5[%get3A_152] {strides = array<i32>} : memref<128xf32, #tpu.memory_space<vmem>>, vector<16xf32>,
    %get3A_154 = vector.shape_cast %get3A_153 : vector<16xf32> to vector<16xf32>
    %add3A_155 = arith.constant 48 : i32
    %add3A_156 = arith.addi %add3A_37, %add3A_155 : i32
    %iota3A_157 = tpu.iota {dimensions = array<i32: 0>} : vector<16xi32>
    %add3A_158 = vector.broadcast %add3A_156 : i32 to vector<16xi32>
    %add3A_159 = arith.addi %add3A_158, %iota3A_157 : vector<16xi32>
    %ge3A_160 = arith.constant 0.000000e+00 : f32
    %ge3A_161 = vector.broadcast %ge3A_160 : f32 to vector<16xf32>
    %ge3A_162 = arith.cmpf oge, %get3A_154, %ge3A_161 : vector<16xf32>
    %convert_element_type3A_163 = arith.fptosi %get3A_154 : vector<16xf32> to vector<16xi32>
    %shift_right_arithmetic3A_164 = arith.constant 9 : i32
    %shift_right_arithmetic3A_165 = vector.broadcast %shift_right_arithmetic3A_164 : i32 to vector<16xi32>
    %shift_right_arithmetic3A_166 = arith.shrsi %convert_element_type3A_163, %shift_right_arithmetic3A_165 : vector<16xi32>
    %mul3A_167 = arith.constant 64 : i32
    %mul3A_168 = vector.broadcast %mul3A_167 : i32 to vector<16xi32>
    %mul3A_169 = arith.muli %shift_right_arithmetic3A_166, %mul3A_168 : vector<16xi32>
    %add3A_170 = arith.addi %convert_element_type3A_163, %mul3A_169 : vector<16xi32>
    %and3A_171 = arith.constant 7 : i32
    %and3A_172 = vector.broadcast %and3A_171 : i32 to vector<16xi32>
    %and3A_173 = arith.andi %add3A_159, %and3A_172 : vector<16xi32>
    %mul3A_174 = arith.constant 576 : i32
    %mul3A_175 = vector.broadcast %mul3A_174 : i32 to vector<16xi32>
    %mul3A_176 = arith.muli %mul3A_175, %and3A_173 : vector<16xi32>
    %add3A_177 = arith.constant 512 : i32
    %add3A_178 = vector.broadcast %add3A_177 : i32 to vector<16xi32>
    %add3A_179 = arith.addi %add3A_178, %mul3A_176 : vector<16xi32>
    %shift_right_arithmetic3A_180 = arith.constant 3 : i32
    %shift_right_arithmetic3A_181 = vector.broadcast %shift_right_arithmetic3A_180 : i32 to vector<16xi32>
    %shift_right_arithmetic3A_182 = arith.shrsi %add3A_159, %shift_right_arithmetic3A_181 : vector<16xi32>
    %and3A_183 = arith.constant 63 : i32
    %and3A_184 = vector.broadcast %and3A_183 : i32 to vector<16xi32>
    %and3A_185 = arith.andi %shift_right_arithmetic3A_182, %and3A_184 : vector<16xi32>
    %add3A_186 = arith.addi %add3A_179, %and3A_185 : vector<16xi32>
    %select_n3A_187 = arith.select %ge3A_162, %add3A_170, %add3A_186 : vector<16xi1>, vector<16xi32>
    %swap3A_188 = arith.constant 48 : index
    %swap3A_189 = tpu.vector_load %arg6[%swap3A_188] {strides = array<i32>} : memref<128xi32, #tpu.memory_space<vmem>>, vector<16xi32>,
    %swap3A_190 = vector.shape_cast %swap3A_189 : vector<16xi32> to vector<16xi32>
    %swap3A_191 = vector.shape_cast %select_n3A_187 : vector<16xi32> to vector<16xi32>
    tpu.vector_store %arg6[%swap3A_188], %swap3A_191 {strides = array<i32>} : memref<128xi32, #tpu.memory_space<vmem>>, vector<16xi32>,
    %get3A_192 = arith.constant 64 : index
    %get3A_193 = tpu.vector_load %arg5[%get3A_192] {strides = array<i32>} : memref<128xf32, #tpu.memory_space<vmem>>, vector<16xf32>,
    %get3A_194 = vector.shape_cast %get3A_193 : vector<16xf32> to vector<16xf32>
    %add3A_195 = arith.constant 64 : i32
    %add3A_196 = arith.addi %add3A_37, %add3A_195 : i32
    %iota3A_197 = tpu.iota {dimensions = array<i32: 0>} : vector<16xi32>
    %add3A_198 = vector.broadcast %add3A_196 : i32 to vector<16xi32>
    %add3A_199 = arith.addi %add3A_198, %iota3A_197 : vector<16xi32>
    %ge3A_200 = arith.constant 0.000000e+00 : f32
    %ge3A_201 = vector.broadcast %ge3A_200 : f32 to vector<16xf32>
    %ge3A_202 = arith.cmpf oge, %get3A_194, %ge3A_201 : vector<16xf32>
    %convert_element_type3A_203 = arith.fptosi %get3A_194 : vector<16xf32> to vector<16xi32>
    %shift_right_arithmetic3A_204 = arith.constant 9 : i32
    %shift_right_arithmetic3A_205 = vector.broadcast %shift_right_arithmetic3A_204 : i32 to vector<16xi32>
    %shift_right_arithmetic3A_206 = arith.shrsi %convert_element_type3A_203, %shift_right_arithmetic3A_205 : vector<16xi32>
    %mul3A_207 = arith.constant 64 : i32
    %mul3A_208 = vector.broadcast %mul3A_207 : i32 to vector<16xi32>
    %mul3A_209 = arith.muli %shift_right_arithmetic3A_206, %mul3A_208 : vector<16xi32>
    %add3A_210 = arith.addi %convert_element_type3A_203, %mul3A_209 : vector<16xi32>
    %and3A_211 = arith.constant 7 : i32
    %and3A_212 = vector.broadcast %and3A_211 : i32 to vector<16xi32>
    %and3A_213 = arith.andi %add3A_199, %and3A_212 : vector<16xi32>
    %mul3A_214 = arith.constant 576 : i32
    %mul3A_215 = vector.broadcast %mul3A_214 : i32 to vector<16xi32>
    %mul3A_216 = arith.muli %mul3A_215, %and3A_213 : vector<16xi32>
    %add3A_217 = arith.constant 512 : i32
    %add3A_218 = vector.broadcast %add3A_217 : i32 to vector<16xi32>
    %add3A_219 = arith.addi %add3A_218, %mul3A_216 : vector<16xi32>
    %shift_right_arithmetic3A_220 = arith.constant 3 : i32
    %shift_right_arithmetic3A_221 = vector.broadcast %shift_right_arithmetic3A_220 : i32 to vector<16xi32>
    %shift_right_arithmetic3A_222 = arith.shrsi %add3A_199, %shift_right_arithmetic3A_221 : vector<16xi32>
    %and3A_223 = arith.constant 63 : i32
    %and3A_224 = vector.broadcast %and3A_223 : i32 to vector<16xi32>
    %and3A_225 = arith.andi %shift_right_arithmetic3A_222, %and3A_224 : vector<16xi32>
    %add3A_226 = arith.addi %add3A_219, %and3A_225 : vector<16xi32>
    %select_n3A_227 = arith.select %ge3A_202, %add3A_210, %add3A_226 : vector<16xi1>, vector<16xi32>
    %swap3A_228 = arith.constant 64 : index
    %swap3A_229 = tpu.vector_load %arg6[%swap3A_228] {strides = array<i32>} : memref<128xi32, #tpu.memory_space<vmem>>, vector<16xi32>,
    %swap3A_230 = vector.shape_cast %swap3A_229 : vector<16xi32> to vector<16xi32>
    %swap3A_231 = vector.shape_cast %select_n3A_227 : vector<16xi32> to vector<16xi32>
    tpu.vector_store %arg6[%swap3A_228], %swap3A_231 {strides = array<i32>} : memref<128xi32, #tpu.memory_space<vmem>>, vector<16xi32>,
    %get3A_232 = arith.constant 80 : index
    %get3A_233 = tpu.vector_load %arg5[%get3A_232] {strides = array<i32>} : memref<128xf32, #tpu.memory_space<vmem>>, vector<16xf32>,
    %get3A_234 = vector.shape_cast %get3A_233 : vector<16xf32> to vector<16xf32>
    %add3A_235 = arith.constant 80 : i32
    %add3A_236 = arith.addi %add3A_37, %add3A_235 : i32
    %iota3A_237 = tpu.iota {dimensions = array<i32: 0>} : vector<16xi32>
    %add3A_238 = vector.broadcast %add3A_236 : i32 to vector<16xi32>
    %add3A_239 = arith.addi %add3A_238, %iota3A_237 : vector<16xi32>
    %ge3A_240 = arith.constant 0.000000e+00 : f32
    %ge3A_241 = vector.broadcast %ge3A_240 : f32 to vector<16xf32>
    %ge3A_242 = arith.cmpf oge, %get3A_234, %ge3A_241 : vector<16xf32>
    %convert_element_type3A_243 = arith.fptosi %get3A_234 : vector<16xf32> to vector<16xi32>
    %shift_right_arithmetic3A_244 = arith.constant 9 : i32
    %shift_right_arithmetic3A_245 = vector.broadcast %shift_right_arithmetic3A_244 : i32 to vector<16xi32>
    %shift_right_arithmetic3A_246 = arith.shrsi %convert_element_type3A_243, %shift_right_arithmetic3A_245 : vector<16xi32>
    %mul3A_247 = arith.constant 64 : i32
    %mul3A_248 = vector.broadcast %mul3A_247 : i32 to vector<16xi32>
    %mul3A_249 = arith.muli %shift_right_arithmetic3A_246, %mul3A_248 : vector<16xi32>
    %add3A_250 = arith.addi %convert_element_type3A_243, %mul3A_249 : vector<16xi32>
    %and3A_251 = arith.constant 7 : i32
    %and3A_252 = vector.broadcast %and3A_251 : i32 to vector<16xi32>
    %and3A_253 = arith.andi %add3A_239, %and3A_252 : vector<16xi32>
    %mul3A_254 = arith.constant 576 : i32
    %mul3A_255 = vector.broadcast %mul3A_254 : i32 to vector<16xi32>
    %mul3A_256 = arith.muli %mul3A_255, %and3A_253 : vector<16xi32>
    %add3A_257 = arith.constant 512 : i32
    %add3A_258 = vector.broadcast %add3A_257 : i32 to vector<16xi32>
    %add3A_259 = arith.addi %add3A_258, %mul3A_256 : vector<16xi32>
    %shift_right_arithmetic3A_260 = arith.constant 3 : i32
    %shift_right_arithmetic3A_261 = vector.broadcast %shift_right_arithmetic3A_260 : i32 to vector<16xi32>
    %shift_right_arithmetic3A_262 = arith.shrsi %add3A_239, %shift_right_arithmetic3A_261 : vector<16xi32>
    %and3A_263 = arith.constant 63 : i32
    %and3A_264 = vector.broadcast %and3A_263 : i32 to vector<16xi32>
    %and3A_265 = arith.andi %shift_right_arithmetic3A_262, %and3A_264 : vector<16xi32>
    %add3A_266 = arith.addi %add3A_259, %and3A_265 : vector<16xi32>
    %select_n3A_267 = arith.select %ge3A_242, %add3A_250, %add3A_266 : vector<16xi1>, vector<16xi32>
    %swap3A_268 = arith.constant 80 : index
    %swap3A_269 = tpu.vector_load %arg6[%swap3A_268] {strides = array<i32>} : memref<128xi32, #tpu.memory_space<vmem>>, vector<16xi32>,
    %swap3A_270 = vector.shape_cast %swap3A_269 : vector<16xi32> to vector<16xi32>
    %swap3A_271 = vector.shape_cast %select_n3A_267 : vector<16xi32> to vector<16xi32>
    tpu.vector_store %arg6[%swap3A_268], %swap3A_271 {strides = array<i32>} : memref<128xi32, #tpu.memory_space<vmem>>, vector<16xi32>,
    %get3A_272 = arith.constant 96 : index
    %get3A_273 = tpu.vector_load %arg5[%get3A_272] {strides = array<i32>} : memref<128xf32, #tpu.memory_space<vmem>>, vector<16xf32>,
    %get3A_274 = vector.shape_cast %get3A_273 : vector<16xf32> to vector<16xf32>
    %add3A_275 = arith.constant 96 : i32
    %add3A_276 = arith.addi %add3A_37, %add3A_275 : i32
    %iota3A_277 = tpu.iota {dimensions = array<i32: 0>} : vector<16xi32>
    %add3A_278 = vector.broadcast %add3A_276 : i32 to vector<16xi32>
    %add3A_279 = arith.addi %add3A_278, %iota3A_277 : vector<16xi32>
    %ge3A_280 = arith.constant 0.000000e+00 : f32
    %ge3A_281 = vector.broadcast %ge3A_280 : f32 to vector<16xf32>
    %ge3A_282 = arith.cmpf oge, %get3A_274, %ge3A_281 : vector<16xf32>
    %convert_element_type3A_283 = arith.fptosi %get3A_274 : vector<16xf32> to vector<16xi32>
    %shift_right_arithmetic3A_284 = arith.constant 9 : i32
    %shift_right_arithmetic3A_285 = vector.broadcast %shift_right_arithmetic3A_284 : i32 to vector<16xi32>
    %shift_right_arithmetic3A_286 = arith.shrsi %convert_element_type3A_283, %shift_right_arithmetic3A_285 : vector<16xi32>
    %mul3A_287 = arith.constant 64 : i32
    %mul3A_288 = vector.broadcast %mul3A_287 : i32 to vector<16xi32>
    %mul3A_289 = arith.muli %shift_right_arithmetic3A_286, %mul3A_288 : vector<16xi32>
    %add3A_290 = arith.addi %convert_element_type3A_283, %mul3A_289 : vector<16xi32>
    %and3A_291 = arith.constant 7 : i32
    %and3A_292 = vector.broadcast %and3A_291 : i32 to vector<16xi32>
    %and3A_293 = arith.andi %add3A_279, %and3A_292 : vector<16xi32>
    %mul3A_294 = arith.constant 576 : i32
    %mul3A_295 = vector.broadcast %mul3A_294 : i32 to vector<16xi32>
    %mul3A_296 = arith.muli %mul3A_295, %and3A_293 : vector<16xi32>
    %add3A_297 = arith.constant 512 : i32
    %add3A_298 = vector.broadcast %add3A_297 : i32 to vector<16xi32>
    %add3A_299 = arith.addi %add3A_298, %mul3A_296 : vector<16xi32>
    %shift_right_arithmetic3A_300 = arith.constant 3 : i32
    %shift_right_arithmetic3A_301 = vector.broadcast %shift_right_arithmetic3A_300 : i32 to vector<16xi32>
    %shift_right_arithmetic3A_302 = arith.shrsi %add3A_279, %shift_right_arithmetic3A_301 : vector<16xi32>
    %and3A_303 = arith.constant 63 : i32
    %and3A_304 = vector.broadcast %and3A_303 : i32 to vector<16xi32>
    %and3A_305 = arith.andi %shift_right_arithmetic3A_302, %and3A_304 : vector<16xi32>
    %add3A_306 = arith.addi %add3A_299, %and3A_305 : vector<16xi32>
    %select_n3A_307 = arith.select %ge3A_282, %add3A_290, %add3A_306 : vector<16xi1>, vector<16xi32>
    %swap3A_308 = arith.constant 96 : index
    %swap3A_309 = tpu.vector_load %arg6[%swap3A_308] {strides = array<i32>} : memref<128xi32, #tpu.memory_space<vmem>>, vector<16xi32>,
    %swap3A_310 = vector.shape_cast %swap3A_309 : vector<16xi32> to vector<16xi32>
    %swap3A_311 = vector.shape_cast %select_n3A_307 : vector<16xi32> to vector<16xi32>
    tpu.vector_store %arg6[%swap3A_308], %swap3A_311 {strides = array<i32>} : memref<128xi32, #tpu.memory_space<vmem>>, vector<16xi32>,
    %get3A_312 = arith.constant 112 : index
    %get3A_313 = tpu.vector_load %arg5[%get3A_312] {strides = array<i32>} : memref<128xf32, #tpu.memory_space<vmem>>, vector<16xf32>,
    %get3A_314 = vector.shape_cast %get3A_313 : vector<16xf32> to vector<16xf32>
    %add3A_315 = arith.constant 112 : i32
    %add3A_316 = arith.addi %add3A_37, %add3A_315 : i32
    %iota3A_317 = tpu.iota {dimensions = array<i32: 0>} : vector<16xi32>
    %add3A_318 = vector.broadcast %add3A_316 : i32 to vector<16xi32>
    %add3A_319 = arith.addi %add3A_318, %iota3A_317 : vector<16xi32>
    %ge3A_320 = arith.constant 0.000000e+00 : f32
    %ge3A_321 = vector.broadcast %ge3A_320 : f32 to vector<16xf32>
    %ge3A_322 = arith.cmpf oge, %get3A_314, %ge3A_321 : vector<16xf32>
    %convert_element_type3A_323 = arith.fptosi %get3A_314 : vector<16xf32> to vector<16xi32>
    %shift_right_arithmetic3A_324 = arith.constant 9 : i32
    %shift_right_arithmetic3A_325 = vector.broadcast %shift_right_arithmetic3A_324 : i32 to vector<16xi32>
    %shift_right_arithmetic3A_326 = arith.shrsi %convert_element_type3A_323, %shift_right_arithmetic3A_325 : vector<16xi32>
    %mul3A_327 = arith.constant 64 : i32
    %mul3A_328 = vector.broadcast %mul3A_327 : i32 to vector<16xi32>
    %mul3A_329 = arith.muli %shift_right_arithmetic3A_326, %mul3A_328 : vector<16xi32>
    %add3A_330 = arith.addi %convert_element_type3A_323, %mul3A_329 : vector<16xi32>
    %and3A_331 = arith.constant 7 : i32
    %and3A_332 = vector.broadcast %and3A_331 : i32 to vector<16xi32>
    %and3A_333 = arith.andi %add3A_319, %and3A_332 : vector<16xi32>
    %mul3A_334 = arith.constant 576 : i32
    %mul3A_335 = vector.broadcast %mul3A_334 : i32 to vector<16xi32>
    %mul3A_336 = arith.muli %mul3A_335, %and3A_333 : vector<16xi32>
    %add3A_337 = arith.constant 512 : i32
    %add3A_338 = vector.broadcast %add3A_337 : i32 to vector<16xi32>
    %add3A_339 = arith.addi %add3A_338, %mul3A_336 : vector<16xi32>
    %shift_right_arithmetic3A_340 = arith.constant 3 : i32
    %shift_right_arithmetic3A_341 = vector.broadcast %shift_right_arithmetic3A_340 : i32 to vector<16xi32>
    %shift_right_arithmetic3A_342 = arith.shrsi %add3A_319, %shift_right_arithmetic3A_341 : vector<16xi32>
    %and3A_343 = arith.constant 63 : i32
    %and3A_344 = vector.broadcast %and3A_343 : i32 to vector<16xi32>
    %and3A_345 = arith.andi %shift_right_arithmetic3A_342, %and3A_344 : vector<16xi32>
    %add3A_346 = arith.addi %add3A_339, %and3A_345 : vector<16xi32>
    %select_n3A_347 = arith.select %ge3A_322, %add3A_330, %add3A_346 : vector<16xi1>, vector<16xi32>
    %swap3A_348 = arith.constant 112 : index
    %swap3A_349 = tpu.vector_load %arg6[%swap3A_348] {strides = array<i32>} : memref<128xi32, #tpu.memory_space<vmem>>, vector<16xi32>,
    %swap3A_350 = vector.shape_cast %swap3A_349 : vector<16xi32> to vector<16xi32>
    %swap3A_351 = vector.shape_cast %select_n3A_347 : vector<16xi32> to vector<16xi32>
    tpu.vector_store %arg6[%swap3A_348], %swap3A_351 {strides = array<i32>} : memref<128xi32, #tpu.memory_space<vmem>>, vector<16xi32>,
    %dma_start3A = arith.constant 0 : i32
    %dma_start3A_352 = arith.constant 0 : i32
    %dma_start3A_353 = tpu.memref_slice %arg3[%dma_start3A, %dma_start3A_352] : memref<4608x512xf32, #tpu.memory_space<hbm>> -> memref<4608x512xf32, #tpu.memory_space<hbm>>
    tpu.enqueue_indirect_dma source(%dma_start3A_353 : memref<4608x512xf32, #tpu.memory_space<hbm>>) target(%arg7 : memref<128x512xf32, #tpu.memory_space<vmem>>) offsets(%arg6 : memref<128xi32, #tpu.memory_space<vmem>>) semaphore(%arg8 : memref<!tpu.dma_semaphore, #tpu.memory_space<semaphore_mem>>)
    %dma_wait3A = arith.constant 0 : i32
    %dma_wait3A_354 = arith.constant 0 : i32
    %dma_wait3A_355 = tpu.memref_slice %arg3[%dma_wait3A, %dma_wait3A_354] : memref<4608x512xf32, #tpu.memory_space<hbm>> -> memref<4608x512xf32, #tpu.memory_space<hbm>>
    tpu.wait_indirect_dma semaphore(%arg8 : memref<!tpu.dma_semaphore, #tpu.memory_space<semaphore_mem>>) src(%dma_wait3A_355 : memref<4608x512xf32, #tpu.memory_space<hbm>>) dst(%arg7 : memref<128x512xf32, #tpu.memory_space<vmem>>)
    %mul3A_356 = arith.constant 1000 : i32
    %mul3A_357 = arith.muli %select_n3A, %mul3A_356 : i32
    %add3A_358 = arith.addi %mul3A_357, %add3A_34 : i32
    %jit3A_359 = arith.constant 4 : i32
    %eq3A_360 = arith.constant 0 : i32
    %eq3A_361 = arith.cmpi eq, %jit3A_359, %eq3A_360 : i32
    %jit3A_362 = arith.constant 1 : i32
    %select_n3A_363 = arith.select %eq3A_361, %jit3A_362, %jit3A_359 : i32
    %rem3A_364 = arith.remsi %add3A, %select_n3A_363 : i32
    %ne3A_365 = arith.constant 0 : i32
    %ne3A_366 = arith.cmpi ne, %rem3A_364, %ne3A_365 : i32
    %lt3A_367 = arith.constant 0 : i32
    %lt3A_368 = arith.cmpi slt, %rem3A_364, %lt3A_367 : i32
    %lt3A_369 = arith.constant 0 : i32
    %lt3A_370 = arith.cmpi slt, %select_n3A_363, %lt3A_369 : i32
    %ne3A_371 = arith.xori %lt3A_368, %lt3A_370 : i1
    %and3A_372 = arith.andi %ne3A_371, %ne3A_366 : i1
    %add3A_373 = arith.addi %rem3A_364, %select_n3A_363 : i32
    %select_n3A_374 = arith.select %and3A_372, %add3A_373, %rem3A_364 : i32
    %eq3A_375 = arith.constant 3 : i32
    %eq3A_376 = arith.cmpi eq, %select_n3A_374, %eq3A_375 : i32
    %and3A_377 = arith.constant false
    %and3A_378 = arith.andi %eq3A_376, %and3A_377 : i1
    %not3A = arith.constant true
    %not3A_379 = arith.xori %and3A_378, %not3A : i1
    %convert_element_type3A_380 = arith.extui %not3A_379 : i1 to i32
    %cond3A = arith.constant 0 : i32
    %cond3A_381 = arith.cmpi ne, %convert_element_type3A_380, %cond3A : i32
    scf.if %cond3A_381 {
      "tpu.region"() ({
        %run_scoped3A = tpu.sem_alloc : memref<!tpu.dma_semaphore, #tpu.memory_space<semaphore_mem>>
        %dma_start3A_747 = arith.constant 0 : i32
        %dma_start3A_748 = tpu.memref_slice %arg4[%add3A_358, %dma_start3A_747] : memref<8000x512xf32, #tpu.memory_space<hbm>> -> memref<128x512xf32, #tpu.memory_space<hbm>>
        %dma_start3A_749 = arith.constant 0 : i32
        %dma_start3A_750 = tpu.memref_slice %arg4[%add3A_358, %dma_start3A_749] : memref<8000x512xf32, #tpu.memory_space<hbm>> -> memref<128x512xf32, #tpu.memory_space<hbm>>
        tpu.enqueue_dma source(%arg7 : memref<128x512xf32, #tpu.memory_space<vmem>>) target(%dma_start3A_750 : memref<128x512xf32, #tpu.memory_space<hbm>>) target_semaphore(%run_scoped3A : memref<!tpu.dma_semaphore, #tpu.memory_space<semaphore_mem>>)
        %dma_wait3A_751 = arith.constant 0 : i32
        %dma_wait3A_752 = tpu.memref_slice %arg4[%add3A_358, %dma_wait3A_751] : memref<8000x512xf32, #tpu.memory_space<hbm>> -> memref<128x512xf32, #tpu.memory_space<hbm>>
        %dma_wait3A_753 = arith.constant 0 : i32
        %dma_wait3A_754 = tpu.memref_slice %arg4[%add3A_358, %dma_wait3A_753] : memref<8000x512xf32, #tpu.memory_space<hbm>> -> memref<128x512xf32, #tpu.memory_space<hbm>>
        tpu.wait_dma2 semaphore(%run_scoped3A : memref<!tpu.dma_semaphore, #tpu.memory_space<semaphore_mem>>) src(%arg7 : memref<128x512xf32, #tpu.memory_space<vmem>>) dst(%dma_wait3A_754 : memref<128x512xf32, #tpu.memory_space<hbm>>)
        tpu.yield
      }) : () -> ()
    } else {
    }
    %convert_element_type3A_382 = arith.extui %and3A_378 : i1 to i32
    %cond3A_383 = arith.constant 0 : i32
    %cond3A_384 = arith.cmpi ne, %convert_element_type3A_382, %cond3A_383 : i32
    scf.if %cond3A_384 {
      "tpu.region"() ({
        %run_scoped3A = tpu.sem_alloc : memref<!tpu.dma_semaphore, #tpu.memory_space<semaphore_mem>>
        %dma_start3A_747 = arith.constant 0 : i32
        %dma_start3A_748 = arith.constant 0 : i32
        %dma_start3A_749 = tpu.memref_slice %arg7[%dma_start3A_747, %dma_start3A_748] : memref<128x512xf32, #tpu.memory_space<vmem>> -> memref<104x512xf32, #tpu.memory_space<vmem>>
        %dma_start3A_750 = arith.constant 0 : i32
        %dma_start3A_751 = tpu.memref_slice %arg4[%add3A_358, %dma_start3A_750] : memref<8000x512xf32, #tpu.memory_space<hbm>> -> memref<104x512xf32, #tpu.memory_space<hbm>>
        %dma_start3A_752 = arith.constant 0 : i32
        %dma_start3A_753 = tpu.memref_slice %arg4[%add3A_358, %dma_start3A_752] : memref<8000x512xf32, #tpu.memory_space<hbm>> -> memref<104x512xf32, #tpu.memory_space<hbm>>
        %dma_start3A_754 = arith.constant 0 : i32
        %dma_start3A_755 = arith.constant 0 : i32
        %dma_start3A_756 = tpu.memref_slice %arg7[%dma_start3A_754, %dma_start3A_755] : memref<128x512xf32, #tpu.memory_space<vmem>> -> memref<104x512xf32, #tpu.memory_space<vmem>>
        tpu.enqueue_dma source(%dma_start3A_756 : memref<104x512xf32, #tpu.memory_space<vmem>>) target(%dma_start3A_753 : memref<104x512xf32, #tpu.memory_space<hbm>>) target_semaphore(%run_scoped3A : memref<!tpu.dma_semaphore, #tpu.memory_space<semaphore_mem>>)
        %dma_wait3A_757 = arith.constant 0 : i32
        %dma_wait3A_758 = arith.constant 0 : i32
        %dma_wait3A_759 = tpu.memref_slice %arg7[%dma_wait3A_757, %dma_wait3A_758] : memref<128x512xf32, #tpu.memory_space<vmem>> -> memref<104x512xf32, #tpu.memory_space<vmem>>
        %dma_wait3A_760 = arith.constant 0 : i32
        %dma_wait3A_761 = tpu.memref_slice %arg4[%add3A_358, %dma_wait3A_760] : memref<8000x512xf32, #tpu.memory_space<hbm>> -> memref<104x512xf32, #tpu.memory_space<hbm>>
        %dma_wait3A_762 = arith.constant 0 : i32
        %dma_wait3A_763 = tpu.memref_slice %arg4[%add3A_358, %dma_wait3A_762] : memref<8000x512xf32, #tpu.memory_space<hbm>> -> memref<104x512xf32, #tpu.memory_space<hbm>>
        %dma_wait3A_764 = arith.constant 0 : i32
        %dma_wait3A_765 = arith.constant 0 : i32
        %dma_wait3A_766 = tpu.memref_slice %arg7[%dma_wait3A_764, %dma_wait3A_765] : memref<128x512xf32, #tpu.memory_space<vmem>> -> memref<104x512xf32, #tpu.memory_space<vmem>>
        tpu.wait_dma2 semaphore(%run_scoped3A : memref<!tpu.dma_semaphore, #tpu.memory_space<semaphore_mem>>) src(%dma_wait3A_766 : memref<104x512xf32, #tpu.memory_space<vmem>>) dst(%dma_wait3A_763 : memref<104x512xf32, #tpu.memory_space<hbm>>)
        tpu.yield
      }) : () -> ()
    } else {
    }
    %add3A_385 = arith.constant 128 : i32
    %add3A_386 = arith.addi %mul3A_32, %add3A_385 : i32
    %mul3A_387 = arith.constant 1024 : i32
    %mul3A_388 = arith.muli %select_n3A, %mul3A_387 : i32
    %add3A_389 = arith.addi %mul3A_388, %add3A_386 : i32
    "tpu.region"() ({
      %run_scoped3A = tpu.sem_alloc : memref<!tpu.dma_semaphore, #tpu.memory_space<semaphore_mem>>
      %dma_start3A_747 = tpu.memref_slice %arg2[%add3A_389] : memref<8192xf32, #tpu.memory_space<hbm>> -> memref<128xf32, #tpu.memory_space<hbm>>
      %dma_start3A_748 = tpu.memref_slice %arg2[%add3A_389] : memref<8192xf32, #tpu.memory_space<hbm>> -> memref<128xf32, #tpu.memory_space<hbm>>
      tpu.enqueue_dma source(%dma_start3A_748 : memref<128xf32, #tpu.memory_space<hbm>>) target(%arg5 : memref<128xf32, #tpu.memory_space<vmem>>) target_semaphore(%run_scoped3A : memref<!tpu.dma_semaphore, #tpu.memory_space<semaphore_mem>>)
      %dma_wait3A_749 = tpu.memref_slice %arg2[%add3A_389] : memref<8192xf32, #tpu.memory_space<hbm>> -> memref<128xf32, #tpu.memory_space<hbm>>
      %dma_wait3A_750 = tpu.memref_slice %arg2[%add3A_389] : memref<8192xf32, #tpu.memory_space<hbm>> -> memref<128xf32, #tpu.memory_space<hbm>>
      tpu.wait_dma2 semaphore(%run_scoped3A : memref<!tpu.dma_semaphore, #tpu.memory_space<semaphore_mem>>) src(%dma_wait3A_750 : memref<128xf32, #tpu.memory_space<hbm>>) dst(%arg5 : memref<128xf32, #tpu.memory_space<vmem>>)
      tpu.yield
    }) : () -> ()
    %get3A_390 = arith.constant 0 : index
    %get3A_391 = tpu.vector_load %arg5[%get3A_390] {strides = array<i32>} : memref<128xf32, #tpu.memory_space<vmem>>, vector<16xf32>,
    %get3A_392 = vector.shape_cast %get3A_391 : vector<16xf32> to vector<16xf32>
    %add3A_393 = arith.constant 0 : i32
    %add3A_394 = arith.addi %add3A_389, %add3A_393 : i32
    %iota3A_395 = tpu.iota {dimensions = array<i32: 0>} : vector<16xi32>
    %add3A_396 = vector.broadcast %add3A_394 : i32 to vector<16xi32>
    %add3A_397 = arith.addi %add3A_396, %iota3A_395 : vector<16xi32>
    %ge3A_398 = arith.constant 0.000000e+00 : f32
    %ge3A_399 = vector.broadcast %ge3A_398 : f32 to vector<16xf32>
    %ge3A_400 = arith.cmpf oge, %get3A_392, %ge3A_399 : vector<16xf32>
    %convert_element_type3A_401 = arith.fptosi %get3A_392 : vector<16xf32> to vector<16xi32>
    %shift_right_arithmetic3A_402 = arith.constant 9 : i32
    %shift_right_arithmetic3A_403 = vector.broadcast %shift_right_arithmetic3A_402 : i32 to vector<16xi32>
    %shift_right_arithmetic3A_404 = arith.shrsi %convert_element_type3A_401, %shift_right_arithmetic3A_403 : vector<16xi32>
    %mul3A_405 = arith.constant 64 : i32
    %mul3A_406 = vector.broadcast %mul3A_405 : i32 to vector<16xi32>
    %mul3A_407 = arith.muli %shift_right_arithmetic3A_404, %mul3A_406 : vector<16xi32>
    %add3A_408 = arith.addi %convert_element_type3A_401, %mul3A_407 : vector<16xi32>
    %and3A_409 = arith.constant 7 : i32
    %and3A_410 = vector.broadcast %and3A_409 : i32 to vector<16xi32>
    %and3A_411 = arith.andi %add3A_397, %and3A_410 : vector<16xi32>
    %mul3A_412 = arith.constant 576 : i32
    %mul3A_413 = vector.broadcast %mul3A_412 : i32 to vector<16xi32>
    %mul3A_414 = arith.muli %mul3A_413, %and3A_411 : vector<16xi32>
    %add3A_415 = arith.constant 512 : i32
    %add3A_416 = vector.broadcast %add3A_415 : i32 to vector<16xi32>
    %add3A_417 = arith.addi %add3A_416, %mul3A_414 : vector<16xi32>
    %shift_right_arithmetic3A_418 = arith.constant 3 : i32
    %shift_right_arithmetic3A_419 = vector.broadcast %shift_right_arithmetic3A_418 : i32 to vector<16xi32>
    %shift_right_arithmetic3A_420 = arith.shrsi %add3A_397, %shift_right_arithmetic3A_419 : vector<16xi32>
    %and3A_421 = arith.constant 63 : i32
    %and3A_422 = vector.broadcast %and3A_421 : i32 to vector<16xi32>
    %and3A_423 = arith.andi %shift_right_arithmetic3A_420, %and3A_422 : vector<16xi32>
    %add3A_424 = arith.addi %add3A_417, %and3A_423 : vector<16xi32>
    %select_n3A_425 = arith.select %ge3A_400, %add3A_408, %add3A_424 : vector<16xi1>, vector<16xi32>
    %swap3A_426 = arith.constant 0 : index
    %swap3A_427 = tpu.vector_load %arg6[%swap3A_426] {strides = array<i32>} : memref<128xi32, #tpu.memory_space<vmem>>, vector<16xi32>,
    %swap3A_428 = vector.shape_cast %swap3A_427 : vector<16xi32> to vector<16xi32>
    %swap3A_429 = vector.shape_cast %select_n3A_425 : vector<16xi32> to vector<16xi32>
    tpu.vector_store %arg6[%swap3A_426], %swap3A_429 {strides = array<i32>} : memref<128xi32, #tpu.memory_space<vmem>>, vector<16xi32>,
    %get3A_430 = arith.constant 16 : index
    %get3A_431 = tpu.vector_load %arg5[%get3A_430] {strides = array<i32>} : memref<128xf32, #tpu.memory_space<vmem>>, vector<16xf32>,
    %get3A_432 = vector.shape_cast %get3A_431 : vector<16xf32> to vector<16xf32>
    %add3A_433 = arith.constant 16 : i32
    %add3A_434 = arith.addi %add3A_389, %add3A_433 : i32
    %iota3A_435 = tpu.iota {dimensions = array<i32: 0>} : vector<16xi32>
    %add3A_436 = vector.broadcast %add3A_434 : i32 to vector<16xi32>
    %add3A_437 = arith.addi %add3A_436, %iota3A_435 : vector<16xi32>
    %ge3A_438 = arith.constant 0.000000e+00 : f32
    %ge3A_439 = vector.broadcast %ge3A_438 : f32 to vector<16xf32>
    %ge3A_440 = arith.cmpf oge, %get3A_432, %ge3A_439 : vector<16xf32>
    %convert_element_type3A_441 = arith.fptosi %get3A_432 : vector<16xf32> to vector<16xi32>
    %shift_right_arithmetic3A_442 = arith.constant 9 : i32
    %shift_right_arithmetic3A_443 = vector.broadcast %shift_right_arithmetic3A_442 : i32 to vector<16xi32>
    %shift_right_arithmetic3A_444 = arith.shrsi %convert_element_type3A_441, %shift_right_arithmetic3A_443 : vector<16xi32>
    %mul3A_445 = arith.constant 64 : i32
    %mul3A_446 = vector.broadcast %mul3A_445 : i32 to vector<16xi32>
    %mul3A_447 = arith.muli %shift_right_arithmetic3A_444, %mul3A_446 : vector<16xi32>
    %add3A_448 = arith.addi %convert_element_type3A_441, %mul3A_447 : vector<16xi32>
    %and3A_449 = arith.constant 7 : i32
    %and3A_450 = vector.broadcast %and3A_449 : i32 to vector<16xi32>
    %and3A_451 = arith.andi %add3A_437, %and3A_450 : vector<16xi32>
    %mul3A_452 = arith.constant 576 : i32
    %mul3A_453 = vector.broadcast %mul3A_452 : i32 to vector<16xi32>
    %mul3A_454 = arith.muli %mul3A_453, %and3A_451 : vector<16xi32>
    %add3A_455 = arith.constant 512 : i32
    %add3A_456 = vector.broadcast %add3A_455 : i32 to vector<16xi32>
    %add3A_457 = arith.addi %add3A_456, %mul3A_454 : vector<16xi32>
    %shift_right_arithmetic3A_458 = arith.constant 3 : i32
    %shift_right_arithmetic3A_459 = vector.broadcast %shift_right_arithmetic3A_458 : i32 to vector<16xi32>
    %shift_right_arithmetic3A_460 = arith.shrsi %add3A_437, %shift_right_arithmetic3A_459 : vector<16xi32>
    %and3A_461 = arith.constant 63 : i32
    %and3A_462 = vector.broadcast %and3A_461 : i32 to vector<16xi32>
    %and3A_463 = arith.andi %shift_right_arithmetic3A_460, %and3A_462 : vector<16xi32>
    %add3A_464 = arith.addi %add3A_457, %and3A_463 : vector<16xi32>
    %select_n3A_465 = arith.select %ge3A_440, %add3A_448, %add3A_464 : vector<16xi1>, vector<16xi32>
    %swap3A_466 = arith.constant 16 : index
    %swap3A_467 = tpu.vector_load %arg6[%swap3A_466] {strides = array<i32>} : memref<128xi32, #tpu.memory_space<vmem>>, vector<16xi32>,
    %swap3A_468 = vector.shape_cast %swap3A_467 : vector<16xi32> to vector<16xi32>
    %swap3A_469 = vector.shape_cast %select_n3A_465 : vector<16xi32> to vector<16xi32>
    tpu.vector_store %arg6[%swap3A_466], %swap3A_469 {strides = array<i32>} : memref<128xi32, #tpu.memory_space<vmem>>, vector<16xi32>,
    %get3A_470 = arith.constant 32 : index
    %get3A_471 = tpu.vector_load %arg5[%get3A_470] {strides = array<i32>} : memref<128xf32, #tpu.memory_space<vmem>>, vector<16xf32>,
    %get3A_472 = vector.shape_cast %get3A_471 : vector<16xf32> to vector<16xf32>
    %add3A_473 = arith.constant 32 : i32
    %add3A_474 = arith.addi %add3A_389, %add3A_473 : i32
    %iota3A_475 = tpu.iota {dimensions = array<i32: 0>} : vector<16xi32>
    %add3A_476 = vector.broadcast %add3A_474 : i32 to vector<16xi32>
    %add3A_477 = arith.addi %add3A_476, %iota3A_475 : vector<16xi32>
    %ge3A_478 = arith.constant 0.000000e+00 : f32
    %ge3A_479 = vector.broadcast %ge3A_478 : f32 to vector<16xf32>
    %ge3A_480 = arith.cmpf oge, %get3A_472, %ge3A_479 : vector<16xf32>
    %convert_element_type3A_481 = arith.fptosi %get3A_472 : vector<16xf32> to vector<16xi32>
    %shift_right_arithmetic3A_482 = arith.constant 9 : i32
    %shift_right_arithmetic3A_483 = vector.broadcast %shift_right_arithmetic3A_482 : i32 to vector<16xi32>
    %shift_right_arithmetic3A_484 = arith.shrsi %convert_element_type3A_481, %shift_right_arithmetic3A_483 : vector<16xi32>
    %mul3A_485 = arith.constant 64 : i32
    %mul3A_486 = vector.broadcast %mul3A_485 : i32 to vector<16xi32>
    %mul3A_487 = arith.muli %shift_right_arithmetic3A_484, %mul3A_486 : vector<16xi32>
    %add3A_488 = arith.addi %convert_element_type3A_481, %mul3A_487 : vector<16xi32>
    %and3A_489 = arith.constant 7 : i32
    %and3A_490 = vector.broadcast %and3A_489 : i32 to vector<16xi32>
    %and3A_491 = arith.andi %add3A_477, %and3A_490 : vector<16xi32>
    %mul3A_492 = arith.constant 576 : i32
    %mul3A_493 = vector.broadcast %mul3A_492 : i32 to vector<16xi32>
    %mul3A_494 = arith.muli %mul3A_493, %and3A_491 : vector<16xi32>
    %add3A_495 = arith.constant 512 : i32
    %add3A_496 = vector.broadcast %add3A_495 : i32 to vector<16xi32>
    %add3A_497 = arith.addi %add3A_496, %mul3A_494 : vector<16xi32>
    %shift_right_arithmetic3A_498 = arith.constant 3 : i32
    %shift_right_arithmetic3A_499 = vector.broadcast %shift_right_arithmetic3A_498 : i32 to vector<16xi32>
    %shift_right_arithmetic3A_500 = arith.shrsi %add3A_477, %shift_right_arithmetic3A_499 : vector<16xi32>
    %and3A_501 = arith.constant 63 : i32
    %and3A_502 = vector.broadcast %and3A_501 : i32 to vector<16xi32>
    %and3A_503 = arith.andi %shift_right_arithmetic3A_500, %and3A_502 : vector<16xi32>
    %add3A_504 = arith.addi %add3A_497, %and3A_503 : vector<16xi32>
    %select_n3A_505 = arith.select %ge3A_480, %add3A_488, %add3A_504 : vector<16xi1>, vector<16xi32>
    %swap3A_506 = arith.constant 32 : index
    %swap3A_507 = tpu.vector_load %arg6[%swap3A_506] {strides = array<i32>} : memref<128xi32, #tpu.memory_space<vmem>>, vector<16xi32>,
    %swap3A_508 = vector.shape_cast %swap3A_507 : vector<16xi32> to vector<16xi32>
    %swap3A_509 = vector.shape_cast %select_n3A_505 : vector<16xi32> to vector<16xi32>
    tpu.vector_store %arg6[%swap3A_506], %swap3A_509 {strides = array<i32>} : memref<128xi32, #tpu.memory_space<vmem>>, vector<16xi32>,
    %get3A_510 = arith.constant 48 : index
    %get3A_511 = tpu.vector_load %arg5[%get3A_510] {strides = array<i32>} : memref<128xf32, #tpu.memory_space<vmem>>, vector<16xf32>,
    %get3A_512 = vector.shape_cast %get3A_511 : vector<16xf32> to vector<16xf32>
    %add3A_513 = arith.constant 48 : i32
    %add3A_514 = arith.addi %add3A_389, %add3A_513 : i32
    %iota3A_515 = tpu.iota {dimensions = array<i32: 0>} : vector<16xi32>
    %add3A_516 = vector.broadcast %add3A_514 : i32 to vector<16xi32>
    %add3A_517 = arith.addi %add3A_516, %iota3A_515 : vector<16xi32>
    %ge3A_518 = arith.constant 0.000000e+00 : f32
    %ge3A_519 = vector.broadcast %ge3A_518 : f32 to vector<16xf32>
    %ge3A_520 = arith.cmpf oge, %get3A_512, %ge3A_519 : vector<16xf32>
    %convert_element_type3A_521 = arith.fptosi %get3A_512 : vector<16xf32> to vector<16xi32>
    %shift_right_arithmetic3A_522 = arith.constant 9 : i32
    %shift_right_arithmetic3A_523 = vector.broadcast %shift_right_arithmetic3A_522 : i32 to vector<16xi32>
    %shift_right_arithmetic3A_524 = arith.shrsi %convert_element_type3A_521, %shift_right_arithmetic3A_523 : vector<16xi32>
    %mul3A_525 = arith.constant 64 : i32
    %mul3A_526 = vector.broadcast %mul3A_525 : i32 to vector<16xi32>
    %mul3A_527 = arith.muli %shift_right_arithmetic3A_524, %mul3A_526 : vector<16xi32>
    %add3A_528 = arith.addi %convert_element_type3A_521, %mul3A_527 : vector<16xi32>
    %and3A_529 = arith.constant 7 : i32
    %and3A_530 = vector.broadcast %and3A_529 : i32 to vector<16xi32>
    %and3A_531 = arith.andi %add3A_517, %and3A_530 : vector<16xi32>
    %mul3A_532 = arith.constant 576 : i32
    %mul3A_533 = vector.broadcast %mul3A_532 : i32 to vector<16xi32>
    %mul3A_534 = arith.muli %mul3A_533, %and3A_531 : vector<16xi32>
    %add3A_535 = arith.constant 512 : i32
    %add3A_536 = vector.broadcast %add3A_535 : i32 to vector<16xi32>
    %add3A_537 = arith.addi %add3A_536, %mul3A_534 : vector<16xi32>
    %shift_right_arithmetic3A_538 = arith.constant 3 : i32
    %shift_right_arithmetic3A_539 = vector.broadcast %shift_right_arithmetic3A_538 : i32 to vector<16xi32>
    %shift_right_arithmetic3A_540 = arith.shrsi %add3A_517, %shift_right_arithmetic3A_539 : vector<16xi32>
    %and3A_541 = arith.constant 63 : i32
    %and3A_542 = vector.broadcast %and3A_541 : i32 to vector<16xi32>
    %and3A_543 = arith.andi %shift_right_arithmetic3A_540, %and3A_542 : vector<16xi32>
    %add3A_544 = arith.addi %add3A_537, %and3A_543 : vector<16xi32>
    %select_n3A_545 = arith.select %ge3A_520, %add3A_528, %add3A_544 : vector<16xi1>, vector<16xi32>
    %swap3A_546 = arith.constant 48 : index
    %swap3A_547 = tpu.vector_load %arg6[%swap3A_546] {strides = array<i32>} : memref<128xi32, #tpu.memory_space<vmem>>, vector<16xi32>,
    %swap3A_548 = vector.shape_cast %swap3A_547 : vector<16xi32> to vector<16xi32>
    %swap3A_549 = vector.shape_cast %select_n3A_545 : vector<16xi32> to vector<16xi32>
    tpu.vector_store %arg6[%swap3A_546], %swap3A_549 {strides = array<i32>} : memref<128xi32, #tpu.memory_space<vmem>>, vector<16xi32>,
    %get3A_550 = arith.constant 64 : index
    %get3A_551 = tpu.vector_load %arg5[%get3A_550] {strides = array<i32>} : memref<128xf32, #tpu.memory_space<vmem>>, vector<16xf32>,
    %get3A_552 = vector.shape_cast %get3A_551 : vector<16xf32> to vector<16xf32>
    %add3A_553 = arith.constant 64 : i32
    %add3A_554 = arith.addi %add3A_389, %add3A_553 : i32
    %iota3A_555 = tpu.iota {dimensions = array<i32: 0>} : vector<16xi32>
    %add3A_556 = vector.broadcast %add3A_554 : i32 to vector<16xi32>
    %add3A_557 = arith.addi %add3A_556, %iota3A_555 : vector<16xi32>
    %ge3A_558 = arith.constant 0.000000e+00 : f32
    %ge3A_559 = vector.broadcast %ge3A_558 : f32 to vector<16xf32>
    %ge3A_560 = arith.cmpf oge, %get3A_552, %ge3A_559 : vector<16xf32>
    %convert_element_type3A_561 = arith.fptosi %get3A_552 : vector<16xf32> to vector<16xi32>
    %shift_right_arithmetic3A_562 = arith.constant 9 : i32
    %shift_right_arithmetic3A_563 = vector.broadcast %shift_right_arithmetic3A_562 : i32 to vector<16xi32>
    %shift_right_arithmetic3A_564 = arith.shrsi %convert_element_type3A_561, %shift_right_arithmetic3A_563 : vector<16xi32>
    %mul3A_565 = arith.constant 64 : i32
    %mul3A_566 = vector.broadcast %mul3A_565 : i32 to vector<16xi32>
    %mul3A_567 = arith.muli %shift_right_arithmetic3A_564, %mul3A_566 : vector<16xi32>
    %add3A_568 = arith.addi %convert_element_type3A_561, %mul3A_567 : vector<16xi32>
    %and3A_569 = arith.constant 7 : i32
    %and3A_570 = vector.broadcast %and3A_569 : i32 to vector<16xi32>
    %and3A_571 = arith.andi %add3A_557, %and3A_570 : vector<16xi32>
    %mul3A_572 = arith.constant 576 : i32
    %mul3A_573 = vector.broadcast %mul3A_572 : i32 to vector<16xi32>
    %mul3A_574 = arith.muli %mul3A_573, %and3A_571 : vector<16xi32>
    %add3A_575 = arith.constant 512 : i32
    %add3A_576 = vector.broadcast %add3A_575 : i32 to vector<16xi32>
    %add3A_577 = arith.addi %add3A_576, %mul3A_574 : vector<16xi32>
    %shift_right_arithmetic3A_578 = arith.constant 3 : i32
    %shift_right_arithmetic3A_579 = vector.broadcast %shift_right_arithmetic3A_578 : i32 to vector<16xi32>
    %shift_right_arithmetic3A_580 = arith.shrsi %add3A_557, %shift_right_arithmetic3A_579 : vector<16xi32>
    %and3A_581 = arith.constant 63 : i32
    %and3A_582 = vector.broadcast %and3A_581 : i32 to vector<16xi32>
    %and3A_583 = arith.andi %shift_right_arithmetic3A_580, %and3A_582 : vector<16xi32>
    %add3A_584 = arith.addi %add3A_577, %and3A_583 : vector<16xi32>
    %select_n3A_585 = arith.select %ge3A_560, %add3A_568, %add3A_584 : vector<16xi1>, vector<16xi32>
    %swap3A_586 = arith.constant 64 : index
    %swap3A_587 = tpu.vector_load %arg6[%swap3A_586] {strides = array<i32>} : memref<128xi32, #tpu.memory_space<vmem>>, vector<16xi32>,
    %swap3A_588 = vector.shape_cast %swap3A_587 : vector<16xi32> to vector<16xi32>
    %swap3A_589 = vector.shape_cast %select_n3A_585 : vector<16xi32> to vector<16xi32>
    tpu.vector_store %arg6[%swap3A_586], %swap3A_589 {strides = array<i32>} : memref<128xi32, #tpu.memory_space<vmem>>, vector<16xi32>,
    %get3A_590 = arith.constant 80 : index
    %get3A_591 = tpu.vector_load %arg5[%get3A_590] {strides = array<i32>} : memref<128xf32, #tpu.memory_space<vmem>>, vector<16xf32>,
    %get3A_592 = vector.shape_cast %get3A_591 : vector<16xf32> to vector<16xf32>
    %add3A_593 = arith.constant 80 : i32
    %add3A_594 = arith.addi %add3A_389, %add3A_593 : i32
    %iota3A_595 = tpu.iota {dimensions = array<i32: 0>} : vector<16xi32>
    %add3A_596 = vector.broadcast %add3A_594 : i32 to vector<16xi32>
    %add3A_597 = arith.addi %add3A_596, %iota3A_595 : vector<16xi32>
    %ge3A_598 = arith.constant 0.000000e+00 : f32
    %ge3A_599 = vector.broadcast %ge3A_598 : f32 to vector<16xf32>
    %ge3A_600 = arith.cmpf oge, %get3A_592, %ge3A_599 : vector<16xf32>
    %convert_element_type3A_601 = arith.fptosi %get3A_592 : vector<16xf32> to vector<16xi32>
    %shift_right_arithmetic3A_602 = arith.constant 9 : i32
    %shift_right_arithmetic3A_603 = vector.broadcast %shift_right_arithmetic3A_602 : i32 to vector<16xi32>
    %shift_right_arithmetic3A_604 = arith.shrsi %convert_element_type3A_601, %shift_right_arithmetic3A_603 : vector<16xi32>
    %mul3A_605 = arith.constant 64 : i32
    %mul3A_606 = vector.broadcast %mul3A_605 : i32 to vector<16xi32>
    %mul3A_607 = arith.muli %shift_right_arithmetic3A_604, %mul3A_606 : vector<16xi32>
    %add3A_608 = arith.addi %convert_element_type3A_601, %mul3A_607 : vector<16xi32>
    %and3A_609 = arith.constant 7 : i32
    %and3A_610 = vector.broadcast %and3A_609 : i32 to vector<16xi32>
    %and3A_611 = arith.andi %add3A_597, %and3A_610 : vector<16xi32>
    %mul3A_612 = arith.constant 576 : i32
    %mul3A_613 = vector.broadcast %mul3A_612 : i32 to vector<16xi32>
    %mul3A_614 = arith.muli %mul3A_613, %and3A_611 : vector<16xi32>
    %add3A_615 = arith.constant 512 : i32
    %add3A_616 = vector.broadcast %add3A_615 : i32 to vector<16xi32>
    %add3A_617 = arith.addi %add3A_616, %mul3A_614 : vector<16xi32>
    %shift_right_arithmetic3A_618 = arith.constant 3 : i32
    %shift_right_arithmetic3A_619 = vector.broadcast %shift_right_arithmetic3A_618 : i32 to vector<16xi32>
    %shift_right_arithmetic3A_620 = arith.shrsi %add3A_597, %shift_right_arithmetic3A_619 : vector<16xi32>
    %and3A_621 = arith.constant 63 : i32
    %and3A_622 = vector.broadcast %and3A_621 : i32 to vector<16xi32>
    %and3A_623 = arith.andi %shift_right_arithmetic3A_620, %and3A_622 : vector<16xi32>
    %add3A_624 = arith.addi %add3A_617, %and3A_623 : vector<16xi32>
    %select_n3A_625 = arith.select %ge3A_600, %add3A_608, %add3A_624 : vector<16xi1>, vector<16xi32>
    %swap3A_626 = arith.constant 80 : index
    %swap3A_627 = tpu.vector_load %arg6[%swap3A_626] {strides = array<i32>} : memref<128xi32, #tpu.memory_space<vmem>>, vector<16xi32>,
    %swap3A_628 = vector.shape_cast %swap3A_627 : vector<16xi32> to vector<16xi32>
    %swap3A_629 = vector.shape_cast %select_n3A_625 : vector<16xi32> to vector<16xi32>
    tpu.vector_store %arg6[%swap3A_626], %swap3A_629 {strides = array<i32>} : memref<128xi32, #tpu.memory_space<vmem>>, vector<16xi32>,
    %get3A_630 = arith.constant 96 : index
    %get3A_631 = tpu.vector_load %arg5[%get3A_630] {strides = array<i32>} : memref<128xf32, #tpu.memory_space<vmem>>, vector<16xf32>,
    %get3A_632 = vector.shape_cast %get3A_631 : vector<16xf32> to vector<16xf32>
    %add3A_633 = arith.constant 96 : i32
    %add3A_634 = arith.addi %add3A_389, %add3A_633 : i32
    %iota3A_635 = tpu.iota {dimensions = array<i32: 0>} : vector<16xi32>
    %add3A_636 = vector.broadcast %add3A_634 : i32 to vector<16xi32>
    %add3A_637 = arith.addi %add3A_636, %iota3A_635 : vector<16xi32>
    %ge3A_638 = arith.constant 0.000000e+00 : f32
    %ge3A_639 = vector.broadcast %ge3A_638 : f32 to vector<16xf32>
    %ge3A_640 = arith.cmpf oge, %get3A_632, %ge3A_639 : vector<16xf32>
    %convert_element_type3A_641 = arith.fptosi %get3A_632 : vector<16xf32> to vector<16xi32>
    %shift_right_arithmetic3A_642 = arith.constant 9 : i32
    %shift_right_arithmetic3A_643 = vector.broadcast %shift_right_arithmetic3A_642 : i32 to vector<16xi32>
    %shift_right_arithmetic3A_644 = arith.shrsi %convert_element_type3A_641, %shift_right_arithmetic3A_643 : vector<16xi32>
    %mul3A_645 = arith.constant 64 : i32
    %mul3A_646 = vector.broadcast %mul3A_645 : i32 to vector<16xi32>
    %mul3A_647 = arith.muli %shift_right_arithmetic3A_644, %mul3A_646 : vector<16xi32>
    %add3A_648 = arith.addi %convert_element_type3A_641, %mul3A_647 : vector<16xi32>
    %and3A_649 = arith.constant 7 : i32
    %and3A_650 = vector.broadcast %and3A_649 : i32 to vector<16xi32>
    %and3A_651 = arith.andi %add3A_637, %and3A_650 : vector<16xi32>
    %mul3A_652 = arith.constant 576 : i32
    %mul3A_653 = vector.broadcast %mul3A_652 : i32 to vector<16xi32>
    %mul3A_654 = arith.muli %mul3A_653, %and3A_651 : vector<16xi32>
    %add3A_655 = arith.constant 512 : i32
    %add3A_656 = vector.broadcast %add3A_655 : i32 to vector<16xi32>
    %add3A_657 = arith.addi %add3A_656, %mul3A_654 : vector<16xi32>
    %shift_right_arithmetic3A_658 = arith.constant 3 : i32
    %shift_right_arithmetic3A_659 = vector.broadcast %shift_right_arithmetic3A_658 : i32 to vector<16xi32>
    %shift_right_arithmetic3A_660 = arith.shrsi %add3A_637, %shift_right_arithmetic3A_659 : vector<16xi32>
    %and3A_661 = arith.constant 63 : i32
    %and3A_662 = vector.broadcast %and3A_661 : i32 to vector<16xi32>
    %and3A_663 = arith.andi %shift_right_arithmetic3A_660, %and3A_662 : vector<16xi32>
    %add3A_664 = arith.addi %add3A_657, %and3A_663 : vector<16xi32>
    %select_n3A_665 = arith.select %ge3A_640, %add3A_648, %add3A_664 : vector<16xi1>, vector<16xi32>
    %swap3A_666 = arith.constant 96 : index
    %swap3A_667 = tpu.vector_load %arg6[%swap3A_666] {strides = array<i32>} : memref<128xi32, #tpu.memory_space<vmem>>, vector<16xi32>,
    %swap3A_668 = vector.shape_cast %swap3A_667 : vector<16xi32> to vector<16xi32>
    %swap3A_669 = vector.shape_cast %select_n3A_665 : vector<16xi32> to vector<16xi32>
    tpu.vector_store %arg6[%swap3A_666], %swap3A_669 {strides = array<i32>} : memref<128xi32, #tpu.memory_space<vmem>>, vector<16xi32>,
    %get3A_670 = arith.constant 112 : index
    %get3A_671 = tpu.vector_load %arg5[%get3A_670] {strides = array<i32>} : memref<128xf32, #tpu.memory_space<vmem>>, vector<16xf32>,
    %get3A_672 = vector.shape_cast %get3A_671 : vector<16xf32> to vector<16xf32>
    %add3A_673 = arith.constant 112 : i32
    %add3A_674 = arith.addi %add3A_389, %add3A_673 : i32
    %iota3A_675 = tpu.iota {dimensions = array<i32: 0>} : vector<16xi32>
    %add3A_676 = vector.broadcast %add3A_674 : i32 to vector<16xi32>
    %add3A_677 = arith.addi %add3A_676, %iota3A_675 : vector<16xi32>
    %ge3A_678 = arith.constant 0.000000e+00 : f32
    %ge3A_679 = vector.broadcast %ge3A_678 : f32 to vector<16xf32>
    %ge3A_680 = arith.cmpf oge, %get3A_672, %ge3A_679 : vector<16xf32>
    %convert_element_type3A_681 = arith.fptosi %get3A_672 : vector<16xf32> to vector<16xi32>
    %shift_right_arithmetic3A_682 = arith.constant 9 : i32
    %shift_right_arithmetic3A_683 = vector.broadcast %shift_right_arithmetic3A_682 : i32 to vector<16xi32>
    %shift_right_arithmetic3A_684 = arith.shrsi %convert_element_type3A_681, %shift_right_arithmetic3A_683 : vector<16xi32>
    %mul3A_685 = arith.constant 64 : i32
    %mul3A_686 = vector.broadcast %mul3A_685 : i32 to vector<16xi32>
    %mul3A_687 = arith.muli %shift_right_arithmetic3A_684, %mul3A_686 : vector<16xi32>
    %add3A_688 = arith.addi %convert_element_type3A_681, %mul3A_687 : vector<16xi32>
    %and3A_689 = arith.constant 7 : i32
    %and3A_690 = vector.broadcast %and3A_689 : i32 to vector<16xi32>
    %and3A_691 = arith.andi %add3A_677, %and3A_690 : vector<16xi32>
    %mul3A_692 = arith.constant 576 : i32
    %mul3A_693 = vector.broadcast %mul3A_692 : i32 to vector<16xi32>
    %mul3A_694 = arith.muli %mul3A_693, %and3A_691 : vector<16xi32>
    %add3A_695 = arith.constant 512 : i32
    %add3A_696 = vector.broadcast %add3A_695 : i32 to vector<16xi32>
    %add3A_697 = arith.addi %add3A_696, %mul3A_694 : vector<16xi32>
    %shift_right_arithmetic3A_698 = arith.constant 3 : i32
    %shift_right_arithmetic3A_699 = vector.broadcast %shift_right_arithmetic3A_698 : i32 to vector<16xi32>
    %shift_right_arithmetic3A_700 = arith.shrsi %add3A_677, %shift_right_arithmetic3A_699 : vector<16xi32>
    %and3A_701 = arith.constant 63 : i32
    %and3A_702 = vector.broadcast %and3A_701 : i32 to vector<16xi32>
    %and3A_703 = arith.andi %shift_right_arithmetic3A_700, %and3A_702 : vector<16xi32>
    %add3A_704 = arith.addi %add3A_697, %and3A_703 : vector<16xi32>
    %select_n3A_705 = arith.select %ge3A_680, %add3A_688, %add3A_704 : vector<16xi1>, vector<16xi32>
    %swap3A_706 = arith.constant 112 : index
    %swap3A_707 = tpu.vector_load %arg6[%swap3A_706] {strides = array<i32>} : memref<128xi32, #tpu.memory_space<vmem>>, vector<16xi32>,
    %swap3A_708 = vector.shape_cast %swap3A_707 : vector<16xi32> to vector<16xi32>
    %swap3A_709 = vector.shape_cast %select_n3A_705 : vector<16xi32> to vector<16xi32>
    tpu.vector_store %arg6[%swap3A_706], %swap3A_709 {strides = array<i32>} : memref<128xi32, #tpu.memory_space<vmem>>, vector<16xi32>,
    %dma_start3A_710 = arith.constant 0 : i32
    %dma_start3A_711 = arith.constant 0 : i32
    %dma_start3A_712 = tpu.memref_slice %arg3[%dma_start3A_710, %dma_start3A_711] : memref<4608x512xf32, #tpu.memory_space<hbm>> -> memref<4608x512xf32, #tpu.memory_space<hbm>>
    tpu.enqueue_indirect_dma source(%dma_start3A_712 : memref<4608x512xf32, #tpu.memory_space<hbm>>) target(%arg7 : memref<128x512xf32, #tpu.memory_space<vmem>>) offsets(%arg6 : memref<128xi32, #tpu.memory_space<vmem>>) semaphore(%arg8 : memref<!tpu.dma_semaphore, #tpu.memory_space<semaphore_mem>>)
    %dma_wait3A_713 = arith.constant 0 : i32
    %dma_wait3A_714 = arith.constant 0 : i32
    %dma_wait3A_715 = tpu.memref_slice %arg3[%dma_wait3A_713, %dma_wait3A_714] : memref<4608x512xf32, #tpu.memory_space<hbm>> -> memref<4608x512xf32, #tpu.memory_space<hbm>>
    tpu.wait_indirect_dma semaphore(%arg8 : memref<!tpu.dma_semaphore, #tpu.memory_space<semaphore_mem>>) src(%dma_wait3A_715 : memref<4608x512xf32, #tpu.memory_space<hbm>>) dst(%arg7 : memref<128x512xf32, #tpu.memory_space<vmem>>)
    %mul3A_716 = arith.constant 1000 : i32
    %mul3A_717 = arith.muli %select_n3A, %mul3A_716 : i32
    %add3A_718 = arith.addi %mul3A_717, %add3A_386 : i32
    %jit3A_719 = arith.constant 4 : i32
    %eq3A_720 = arith.constant 0 : i32
    %eq3A_721 = arith.cmpi eq, %jit3A_719, %eq3A_720 : i32
    %jit3A_722 = arith.constant 1 : i32
    %select_n3A_723 = arith.select %eq3A_721, %jit3A_722, %jit3A_719 : i32
    %rem3A_724 = arith.remsi %add3A, %select_n3A_723 : i32
    %ne3A_725 = arith.constant 0 : i32
    %ne3A_726 = arith.cmpi ne, %rem3A_724, %ne3A_725 : i32
    %lt3A_727 = arith.constant 0 : i32
    %lt3A_728 = arith.cmpi slt, %rem3A_724, %lt3A_727 : i32
    %lt3A_729 = arith.constant 0 : i32
    %lt3A_730 = arith.cmpi slt, %select_n3A_723, %lt3A_729 : i32
    %ne3A_731 = arith.xori %lt3A_728, %lt3A_730 : i1
    %and3A_732 = arith.andi %ne3A_731, %ne3A_726 : i1
    %add3A_733 = arith.addi %rem3A_724, %select_n3A_723 : i32
    %select_n3A_734 = arith.select %and3A_732, %add3A_733, %rem3A_724 : i32
    %eq3A_735 = arith.constant 3 : i32
    %eq3A_736 = arith.cmpi eq, %select_n3A_734, %eq3A_735 : i32
    %and3A_737 = arith.constant true
    %and3A_738 = arith.andi %eq3A_736, %and3A_737 : i1
    %not3A_739 = arith.constant true
    %not3A_740 = arith.xori %and3A_738, %not3A_739 : i1
    %convert_element_type3A_741 = arith.extui %not3A_740 : i1 to i32
    %cond3A_742 = arith.constant 0 : i32
    %cond3A_743 = arith.cmpi ne, %convert_element_type3A_741, %cond3A_742 : i32
    scf.if %cond3A_743 {
      "tpu.region"() ({
        %run_scoped3A = tpu.sem_alloc : memref<!tpu.dma_semaphore, #tpu.memory_space<semaphore_mem>>
        %dma_start3A_747 = arith.constant 0 : i32
        %dma_start3A_748 = tpu.memref_slice %arg4[%add3A_718, %dma_start3A_747] : memref<8000x512xf32, #tpu.memory_space<hbm>> -> memref<128x512xf32, #tpu.memory_space<hbm>>
        %dma_start3A_749 = arith.constant 0 : i32
        %dma_start3A_750 = tpu.memref_slice %arg4[%add3A_718, %dma_start3A_749] : memref<8000x512xf32, #tpu.memory_space<hbm>> -> memref<128x512xf32, #tpu.memory_space<hbm>>
        tpu.enqueue_dma source(%arg7 : memref<128x512xf32, #tpu.memory_space<vmem>>) target(%dma_start3A_750 : memref<128x512xf32, #tpu.memory_space<hbm>>) target_semaphore(%run_scoped3A : memref<!tpu.dma_semaphore, #tpu.memory_space<semaphore_mem>>)
        %dma_wait3A_751 = arith.constant 0 : i32
        %dma_wait3A_752 = tpu.memref_slice %arg4[%add3A_718, %dma_wait3A_751] : memref<8000x512xf32, #tpu.memory_space<hbm>> -> memref<128x512xf32, #tpu.memory_space<hbm>>
        %dma_wait3A_753 = arith.constant 0 : i32
        %dma_wait3A_754 = tpu.memref_slice %arg4[%add3A_718, %dma_wait3A_753] : memref<8000x512xf32, #tpu.memory_space<hbm>> -> memref<128x512xf32, #tpu.memory_space<hbm>>
        tpu.wait_dma2 semaphore(%run_scoped3A : memref<!tpu.dma_semaphore, #tpu.memory_space<semaphore_mem>>) src(%arg7 : memref<128x512xf32, #tpu.memory_space<vmem>>) dst(%dma_wait3A_754 : memref<128x512xf32, #tpu.memory_space<hbm>>)
        tpu.yield
      }) : () -> ()
    } else {
    }
    %convert_element_type3A_744 = arith.extui %and3A_738 : i1 to i32
    %cond3A_745 = arith.constant 0 : i32
    %cond3A_746 = arith.cmpi ne, %convert_element_type3A_744, %cond3A_745 : i32
    scf.if %cond3A_746 {
      "tpu.region"() ({
        %run_scoped3A = tpu.sem_alloc : memref<!tpu.dma_semaphore, #tpu.memory_space<semaphore_mem>>
        %dma_start3A_747 = arith.constant 0 : i32
        %dma_start3A_748 = arith.constant 0 : i32
        %dma_start3A_749 = tpu.memref_slice %arg7[%dma_start3A_747, %dma_start3A_748] : memref<128x512xf32, #tpu.memory_space<vmem>> -> memref<104x512xf32, #tpu.memory_space<vmem>>
        %dma_start3A_750 = arith.constant 0 : i32
        %dma_start3A_751 = tpu.memref_slice %arg4[%add3A_718, %dma_start3A_750] : memref<8000x512xf32, #tpu.memory_space<hbm>> -> memref<104x512xf32, #tpu.memory_space<hbm>>
        %dma_start3A_752 = arith.constant 0 : i32
        %dma_start3A_753 = tpu.memref_slice %arg4[%add3A_718, %dma_start3A_752] : memref<8000x512xf32, #tpu.memory_space<hbm>> -> memref<104x512xf32, #tpu.memory_space<hbm>>
        %dma_start3A_754 = arith.constant 0 : i32
        %dma_start3A_755 = arith.constant 0 : i32
        %dma_start3A_756 = tpu.memref_slice %arg7[%dma_start3A_754, %dma_start3A_755] : memref<128x512xf32, #tpu.memory_space<vmem>> -> memref<104x512xf32, #tpu.memory_space<vmem>>
        tpu.enqueue_dma source(%dma_start3A_756 : memref<104x512xf32, #tpu.memory_space<vmem>>) target(%dma_start3A_753 : memref<104x512xf32, #tpu.memory_space<hbm>>) target_semaphore(%run_scoped3A : memref<!tpu.dma_semaphore, #tpu.memory_space<semaphore_mem>>)
        %dma_wait3A_757 = arith.constant 0 : i32
        %dma_wait3A_758 = arith.constant 0 : i32
        %dma_wait3A_759 = tpu.memref_slice %arg7[%dma_wait3A_757, %dma_wait3A_758] : memref<128x512xf32, #tpu.memory_space<vmem>> -> memref<104x512xf32, #tpu.memory_space<vmem>>
        %dma_wait3A_760 = arith.constant 0 : i32
        %dma_wait3A_761 = tpu.memref_slice %arg4[%add3A_718, %dma_wait3A_760] : memref<8000x512xf32, #tpu.memory_space<hbm>> -> memref<104x512xf32, #tpu.memory_space<hbm>>
        %dma_wait3A_762 = arith.constant 0 : i32
        %dma_wait3A_763 = tpu.memref_slice %arg4[%add3A_718, %dma_wait3A_762] : memref<8000x512xf32, #tpu.memory_space<hbm>> -> memref<104x512xf32, #tpu.memory_space<hbm>>
        %dma_wait3A_764 = arith.constant 0 : i32
        %dma_wait3A_765 = arith.constant 0 : i32
        %dma_wait3A_766 = tpu.memref_slice %arg7[%dma_wait3A_764, %dma_wait3A_765] : memref<128x512xf32, #tpu.memory_space<vmem>> -> memref<104x512xf32, #tpu.memory_space<vmem>>
        tpu.wait_dma2 semaphore(%run_scoped3A : memref<!tpu.dma_semaphore, #tpu.memory_space<semaphore_mem>>) src(%dma_wait3A_766 : memref<104x512xf32, #tpu.memory_space<vmem>>) dst(%dma_wait3A_763 : memref<104x512xf32, #tpu.memory_space<hbm>>)
        tpu.yield
      }) : () -> ()
    } else {
    }
    return
  }
}

module attributes {stable_mosaic.version = 14 : i64} {
  func.func @_norm_tables_kernel(%arg0: i32, %arg1: memref<1x1000x512xf32, #tpu.memory_space<vmem>>, %arg2: memref<512x512xf32, #tpu.memory_space<vmem>>, %arg3: memref<4096x1xf32, #tpu.memory_space<vmem>>, %arg4: memref<1x1024x512xf32, #tpu.memory_space<vmem>>, %arg5: memref<1x1x1024xf32, #tpu.memory_space<vmem>>, %arg6: memref<576x512xf32, #tpu.memory_space<vmem>>, %arg7: memref<1x1024x512xbf16, #tpu.memory_space<vmem>>, %arg8: memref<512x512xbf16, #tpu.memory_space<vmem>>, %arg9: memref<512x1xf32, #tpu.memory_space<vmem>>, %arg10: memref<1x1x1024xf32, #tpu.memory_space<vmem>>) attributes {dimension_semantics = [#tpu.dimension_semantics<arbitrary>], iteration_bounds = array<i64: 8>, scalar_prefetch = 0 : i64, scratch_operands = 0 : i64, tpu.core_type = #tpu.core_type<tc>, window_params = [{transform_indices = @transform_0, window_bounds = array<i64: 1, 1000, 512>}, {transform_indices = @transform_1, window_bounds = array<i64: 512, 512>}, {pipeline_mode = #tpu.pipeline_mode<synchronous>, transform_indices = @transform_2, window_bounds = array<i64: 4096, 1>}, {transform_indices = @transform_3, window_bounds = array<i64: 1, 1024, 512>}, {transform_indices = @transform_4, window_bounds = array<i64: 1, 1, 1024>}, {transform_indices = @transform_5, window_bounds = array<i64: 576, 512>}, {transform_indices = @transform_6, window_bounds = array<i64: 1, 1024, 512>}, {transform_indices = @transform_7, window_bounds = array<i64: 512, 512>}, {transform_indices = @transform_8, window_bounds = array<i64: 512, 1>}, {transform_indices = @transform_9, window_bounds = array<i64: 1, 1, 1024>}]} {
    %get3A = arith.constant 0 : index
    %get3A_0 = arith.constant 0 : index
    %get3A_1 = arith.constant 0 : index
    %get3A_2 = vector.load %arg1[%get3A, %get3A_0, %get3A_1] : memref<1x1000x512xf32, #tpu.memory_space<vmem>>, vector<1x1000x512xf32>
    %get3A_3 = vector.shape_cast %get3A_2 : vector<1x1000x512xf32> to vector<1000x512xf32>
    %mul3A = arith.mulf %get3A_3, %get3A_3 : vector<1000x512xf32>
    %reduce_sum3A = arith.constant dense<0.000000e+00> : vector<1000xf32>
    %reduce_sum3A_4 = vector.multi_reduction <add>, %mul3A, %reduce_sum3A [1] : vector<1000x512xf32> to vector<1000xf32>
    %broadcast_in_dim3A = vector.shape_cast %reduce_sum3A_4 : vector<1000xf32> to vector<1000x1xf32>
    %sqrt3A = math.sqrt %broadcast_in_dim3A : vector<1000x1xf32>
    %add3A = arith.constant 9.99999996E-13 : f32
    %add3A_5 = vector.broadcast %add3A : f32 to vector<1000x1xf32>
    %add3A_6 = arith.addf %sqrt3A, %add3A_5 : vector<1000x1xf32>
    %div3A = vector.broadcast %add3A_6 : vector<1000x1xf32> to vector<1000x512xf32>
    %div3A_7 = arith.divf %get3A_3, %div3A : vector<1000x512xf32>
    %swap3A = arith.constant 0 : index
    %swap3A_8 = arith.constant 0 : index
    %swap3A_9 = arith.constant 0 : index
    %swap3A_10 = vector.load %arg4[%swap3A, %swap3A_8, %swap3A_9] : memref<1x1024x512xf32, #tpu.memory_space<vmem>>, vector<1x1000x512xf32>
    %swap3A_11 = vector.shape_cast %swap3A_10 : vector<1x1000x512xf32> to vector<1000x512xf32>
    %swap3A_12 = vector.shape_cast %div3A_7 : vector<1000x512xf32> to vector<1x1000x512xf32>
    tpu.vector_store %arg4[%swap3A, %swap3A_8, %swap3A_9], %swap3A_12 {strides = array<i32>} : memref<1x1024x512xf32, #tpu.memory_space<vmem>>, vector<1x1000x512xf32>,
    %broadcast_in_dim3A_13 = arith.constant 0.000000e+00 : f32
    %broadcast_in_dim3A_14 = vector.broadcast %broadcast_in_dim3A_13 : f32 to vector<24x512xf32>
    %swap3A_15 = arith.constant 0 : index
    %swap3A_16 = arith.constant 1000 : index
    %swap3A_17 = arith.constant 0 : index
    %swap3A_18 = vector.load %arg4[%swap3A_15, %swap3A_16, %swap3A_17] : memref<1x1024x512xf32, #tpu.memory_space<vmem>>, vector<1x24x512xf32>
    %swap3A_19 = vector.shape_cast %swap3A_18 : vector<1x24x512xf32> to vector<24x512xf32>
    %swap3A_20 = vector.shape_cast %broadcast_in_dim3A_14 : vector<24x512xf32> to vector<1x24x512xf32>
    tpu.vector_store %arg4[%swap3A_15, %swap3A_16, %swap3A_17], %swap3A_20 {strides = array<i32>} : memref<1x1024x512xf32, #tpu.memory_space<vmem>>, vector<1x24x512xf32>,
    %get3A_21 = arith.constant 0 : index
    %get3A_22 = arith.constant 0 : index
    %get3A_23 = arith.constant 0 : index
    %get3A_24 = vector.load %arg4[%get3A_21, %get3A_22, %get3A_23] : memref<1x1024x512xf32, #tpu.memory_space<vmem>>, vector<1x1024x512xf32>
    %get3A_25 = vector.shape_cast %get3A_24 : vector<1x1024x512xf32> to vector<1024x512xf32>
    %broadcast_in_dim3A_26 = arith.constant 1.000000e+00 : f32
    %broadcast_in_dim3A_27 = vector.broadcast %broadcast_in_dim3A_26 : f32 to vector<1x512xf32>
    %mul3A_28 = arith.mulf %get3A_25, %get3A_25 : vector<1024x512xf32>
    %dot_general3A = arith.constant dense<0.000000e+00> : vector<1x1024xf32>
    %dot_general3A_29 = tpu.matmul %broadcast_in_dim3A_27, %mul3A_28, %dot_general3A {dimension_numbers = #tpu.dot_dimension_numbers<[1], [1], [0], [0], [0, 0, 1, 0], [], []>, transpose_lhs_hint = false} : vector<1x512xf32>, vector<1024x512xf32>, vector<1x1024xf32> -> vector<1x1024xf32>
    %iota3A = tpu.iota {dimensions = array<i32: 1>} : vector<1x1024xi32>
    %ge3A = arith.constant 1000 : i32
    %ge3A_30 = vector.broadcast %ge3A : i32 to vector<1x1024xi32>
    %ge3A_31 = arith.cmpi sge, %iota3A, %ge3A_30 : vector<1x1024xi32>
    %jit3A = arith.constant 1.000000e+09 : f32
    %broadcast_in_dim3A_32 = vector.broadcast %jit3A : f32 to vector<1x1024xf32>
    %select_n3A = arith.select %ge3A_31, %broadcast_in_dim3A_32, %dot_general3A_29 : vector<1x1024xi1>, vector<1x1024xf32>
    %swap3A_33 = arith.constant 0 : index
    %swap3A_34 = arith.constant 0 : index
    %swap3A_35 = arith.constant 0 : index
    %swap3A_36 = vector.load %arg5[%swap3A_33, %swap3A_34, %swap3A_35] : memref<1x1x1024xf32, #tpu.memory_space<vmem>>, vector<1x1x1024xf32>
    %swap3A_37 = vector.shape_cast %swap3A_36 : vector<1x1x1024xf32> to vector<1x1024xf32>
    %swap3A_38 = vector.shape_cast %select_n3A : vector<1x1024xf32> to vector<1x1x1024xf32>
    tpu.vector_store %arg5[%swap3A_33, %swap3A_34, %swap3A_35], %swap3A_38 {strides = array<i32>} : memref<1x1x1024xf32, #tpu.memory_space<vmem>>, vector<1x1x1024xf32>,
    %convert_element_type3A = arith.truncf %get3A_25 : vector<1024x512xf32> to vector<1024x512xbf16>
    %swap3A_39 = arith.constant 0 : index
    %swap3A_40 = arith.constant 0 : index
    %swap3A_41 = arith.constant 0 : index
    %swap3A_42 = vector.load %arg7[%swap3A_39, %swap3A_40, %swap3A_41] : memref<1x1024x512xbf16, #tpu.memory_space<vmem>>, vector<1x1024x512xbf16>
    %swap3A_43 = vector.shape_cast %swap3A_42 : vector<1x1024x512xbf16> to vector<1024x512xbf16>
    %swap3A_44 = vector.shape_cast %convert_element_type3A : vector<1024x512xbf16> to vector<1x1024x512xbf16>
    tpu.vector_store %arg7[%swap3A_39, %swap3A_40, %swap3A_41], %swap3A_44 {strides = array<i32>} : memref<1x1024x512xbf16, #tpu.memory_space<vmem>>, vector<1x1024x512xbf16>,
    %get3A_45 = arith.constant 0 : index
    %get3A_46 = arith.constant 0 : index
    %get3A_47 = vector.load %arg2[%get3A_45, %get3A_46] : memref<512x512xf32, #tpu.memory_space<vmem>>, vector<512x512xf32>
    %mul3A_48 = arith.mulf %get3A_47, %get3A_47 : vector<512x512xf32>
    %reduce_sum3A_49 = arith.constant dense<0.000000e+00> : vector<512xf32>
    %reduce_sum3A_50 = vector.multi_reduction <add>, %mul3A_48, %reduce_sum3A_49 [1] : vector<512x512xf32> to vector<512xf32>
    %broadcast_in_dim3A_51 = vector.shape_cast %reduce_sum3A_50 : vector<512xf32> to vector<512x1xf32>
    %sqrt3A_52 = math.sqrt %broadcast_in_dim3A_51 : vector<512x1xf32>
    %add3A_53 = arith.constant 9.99999996E-13 : f32
    %add3A_54 = vector.broadcast %add3A_53 : f32 to vector<512x1xf32>
    %add3A_55 = arith.addf %sqrt3A_52, %add3A_54 : vector<512x1xf32>
    %div3A_56 = vector.broadcast %add3A_55 : vector<512x1xf32> to vector<512x512xf32>
    %div3A_57 = arith.divf %get3A_47, %div3A_56 : vector<512x512xf32>
    %convert_element_type3A_58 = arith.truncf %div3A_57 : vector<512x512xf32> to vector<512x512xbf16>
    %swap3A_59 = arith.constant 0 : index
    %swap3A_60 = arith.constant 0 : index
    %swap3A_61 = vector.load %arg8[%swap3A_59, %swap3A_60] : memref<512x512xbf16, #tpu.memory_space<vmem>>, vector<512x512xbf16>
    tpu.vector_store %arg8[%swap3A_59, %swap3A_60], %convert_element_type3A_58 {strides = array<i32>} : memref<512x512xbf16, #tpu.memory_space<vmem>>, vector<512x512xbf16>,
    %mul3A_62 = arith.mulf %div3A_57, %div3A_57 : vector<512x512xf32>
    %reduce_sum3A_63 = arith.constant dense<0.000000e+00> : vector<512xf32>
    %reduce_sum3A_64 = vector.multi_reduction <add>, %mul3A_62, %reduce_sum3A_63 [1] : vector<512x512xf32> to vector<512xf32>
    %broadcast_in_dim3A_65 = vector.shape_cast %reduce_sum3A_64 : vector<512xf32> to vector<512x1xf32>
    %swap3A_66 = arith.constant 0 : index
    %swap3A_67 = arith.constant 0 : index
    %swap3A_68 = vector.load %arg9[%swap3A_66, %swap3A_67] : memref<512x1xf32, #tpu.memory_space<vmem>>, vector<512x1xf32>
    tpu.vector_store %arg9[%swap3A_66, %swap3A_67], %broadcast_in_dim3A_65 {strides = array<i32>} : memref<512x1xf32, #tpu.memory_space<vmem>>, vector<512x1xf32>,
    %mul3A_69 = arith.constant 5.000000e-01 : f32
    %mul3A_70 = vector.broadcast %mul3A_69 : f32 to vector<512x512xf32>
    %mul3A_71 = arith.mulf %mul3A_70, %div3A_57 : vector<512x512xf32>
    %swap3A_72 = arith.constant 0 : index
    %swap3A_73 = arith.constant 0 : index
    %swap3A_74 = vector.load %arg6[%swap3A_72, %swap3A_73] : memref<576x512xf32, #tpu.memory_space<vmem>>, vector<512x512xf32>
    tpu.vector_store %arg6[%swap3A_72, %swap3A_73], %mul3A_71 {strides = array<i32>} : memref<576x512xf32, #tpu.memory_space<vmem>>, vector<512x512xf32>,
    %broadcast_in_dim3A_75 = arith.constant 0.000000e+00 : f32
    %broadcast_in_dim3A_76 = vector.broadcast %broadcast_in_dim3A_75 : f32 to vector<64x512xf32>
    %swap3A_77 = arith.constant 512 : index
    %swap3A_78 = arith.constant 0 : index
    %swap3A_79 = vector.load %arg6[%swap3A_77, %swap3A_78] : memref<576x512xf32, #tpu.memory_space<vmem>>, vector<64x512xf32>
    tpu.vector_store %arg6[%swap3A_77, %swap3A_78], %broadcast_in_dim3A_76 {strides = array<i32>} : memref<576x512xf32, #tpu.memory_space<vmem>>, vector<64x512xf32>,
    %mul3A_80 = arith.constant 1024 : i32
    %mul3A_81 = arith.muli %arg0, %mul3A_80 : i32
    %iota3A_82 = tpu.iota {dimensions = array<i32: 1>} : vector<1x1024xi32>
    %add3A_83 = vector.broadcast %mul3A_81 : i32 to vector<1x1024xi32>
    %add3A_84 = arith.addi %add3A_83, %iota3A_82 : vector<1x1024xi32>
    %convert_element_type3A_85 = arith.sitofp %add3A_84 : vector<1x1024xi32> to vector<1x1024xf32>
    %get3A_86 = arith.constant 0 : index
    %get3A_87 = arith.constant 0 : index
    %get3A_88 = vector.load %arg3[%get3A_86, %get3A_87] : memref<4096x1xf32, #tpu.memory_space<vmem>>, vector<4096x1xf32>
    %eq3A = vector.broadcast %get3A_88 : vector<4096x1xf32> to vector<4096x1024xf32>
    %eq3A_89 = vector.broadcast %convert_element_type3A_85 : vector<1x1024xf32> to vector<4096x1024xf32>
    %eq3A_90 = arith.cmpf oeq, %eq3A, %eq3A_89 : vector<4096x1024xf32>
    %iota3A_91 = tpu.iota {dimensions = array<i32: 0>} : vector<4096x1024xi32>
    %convert_element_type3A_92 = arith.sitofp %iota3A_91 : vector<4096x1024xi32> to vector<4096x1024xf32>
    %jit3A_93 = arith.constant -1.000000e+00 : f32
    %broadcast_in_dim3A_94 = vector.broadcast %jit3A_93 : f32 to vector<4096x1024xf32>
    %select_n3A_95 = arith.select %eq3A_90, %convert_element_type3A_92, %broadcast_in_dim3A_94 : vector<4096x1024xi1>, vector<4096x1024xf32>
    %reduce_max3A = arith.constant dense<0xFF800000> : vector<1024xf32>
    %reduce_max3A_96 = vector.multi_reduction <maximumf>, %select_n3A_95, %reduce_max3A [0] : vector<4096x1024xf32> to vector<1024xf32>
    %broadcast_in_dim3A_97 = vector.shape_cast %reduce_max3A_96 : vector<1024xf32> to vector<1x1024xf32>
    %swap3A_98 = arith.constant 0 : index
    %swap3A_99 = arith.constant 0 : index
    %swap3A_100 = arith.constant 0 : index
    %swap3A_101 = vector.load %arg10[%swap3A_98, %swap3A_99, %swap3A_100] : memref<1x1x1024xf32, #tpu.memory_space<vmem>>, vector<1x1x1024xf32>
    %swap3A_102 = vector.shape_cast %swap3A_101 : vector<1x1x1024xf32> to vector<1x1024xf32>
    %swap3A_103 = vector.shape_cast %broadcast_in_dim3A_97 : vector<1x1024xf32> to vector<1x1x1024xf32>
    tpu.vector_store %arg10[%swap3A_98, %swap3A_99, %swap3A_100], %swap3A_103 {strides = array<i32>} : memref<1x1x1024xf32, #tpu.memory_space<vmem>>, vector<1x1x1024xf32>,
    return
  }
  func.func @transform_0(%arg0: i32) -> (i32, i32, i32) {
    %c0_i32 = arith.constant 0 : i32
    %c0_i32_0 = arith.constant 0 : i32
    %c0_i32_1 = arith.constant 0 : i32
    return %arg0, %c0_i32, %c0_i32_0 : i32, i32, i32
  }
  func.func @transform_1(%arg0: i32) -> (i32, i32) {
    %c0_i32 = arith.constant 0 : i32
    %c0_i32_0 = arith.constant 0 : i32
    return %arg0, %c0_i32 : i32, i32
  }
  func.func @transform_2(%arg0: i32) -> (i32, i32) {
    %c0_i32 = arith.constant 0 : i32
    %c0_i32_0 = arith.constant 0 : i32
    %c0_i32_1 = arith.constant 0 : i32
    return %c0_i32, %c0_i32_0 : i32, i32
  }
  func.func @transform_3(%arg0: i32) -> (i32, i32, i32) {
    %c0_i32 = arith.constant 0 : i32
    %c0_i32_0 = arith.constant 0 : i32
    %c0_i32_1 = arith.constant 0 : i32
    return %arg0, %c0_i32, %c0_i32_0 : i32, i32, i32
  }
  func.func @transform_4(%arg0: i32) -> (i32, i32, i32) {
    %c0_i32 = arith.constant 0 : i32
    %c0_i32_0 = arith.constant 0 : i32
    %c0_i32_1 = arith.constant 0 : i32
    return %arg0, %c0_i32, %c0_i32_0 : i32, i32, i32
  }
  func.func @transform_5(%arg0: i32) -> (i32, i32) {
    %c0_i32 = arith.constant 0 : i32
    %c0_i32_0 = arith.constant 0 : i32
    return %arg0, %c0_i32 : i32, i32
  }
  func.func @transform_6(%arg0: i32) -> (i32, i32, i32) {
    %c0_i32 = arith.constant 0 : i32
    %c0_i32_0 = arith.constant 0 : i32
    %c0_i32_1 = arith.constant 0 : i32
    return %arg0, %c0_i32, %c0_i32_0 : i32, i32, i32
  }
  func.func @transform_7(%arg0: i32) -> (i32, i32) {
    %c0_i32 = arith.constant 0 : i32
    %c0_i32_0 = arith.constant 0 : i32
    return %arg0, %c0_i32 : i32, i32
  }
  func.func @transform_8(%arg0: i32) -> (i32, i32) {
    %c0_i32 = arith.constant 0 : i32
    %c0_i32_0 = arith.constant 0 : i32
    return %arg0, %c0_i32 : i32, i32
  }
  func.func @transform_9(%arg0: i32) -> (i32, i32, i32) {
    %c0_i32 = arith.constant 0 : i32
    %c0_i32_0 = arith.constant 0 : i32
    %c0_i32_1 = arith.constant 0 : i32
    return %arg0, %c0_i32, %c0_i32_0 : i32, i32, i32
  }
}

module attributes {stable_mosaic.version = 14 : i64} {
  func.func @_loss_kernel(%arg0: i32, %arg1: i32, %arg2: memref<1x1024x512xbf16, #tpu.memory_space<vmem>>, %arg3: memref<1x1x1024xf32, #tpu.memory_space<vmem>>, %arg4: memref<1024x512xbf16, #tpu.memory_space<vmem>>, %arg5: memref<1024x1xf32, #tpu.memory_space<vmem>>, %arg6: memref<1024x1xf32, #tpu.memory_space<vmem>>, %arg7: memref<1024x1xf32, #tpu.memory_space<vmem>>, %arg8: memref<1x1xf32, #tpu.memory_space<smem>>) attributes {dimension_semantics = [#tpu.dimension_semantics<arbitrary>, #tpu.dimension_semantics<arbitrary>], iteration_bounds = array<i64: 8, 4>, scalar_prefetch = 0 : i64, scratch_operands = 0 : i64, tpu.core_type = #tpu.core_type<tc>, window_params = [{transform_indices = @transform_0, window_bounds = array<i64: 1, 1024, 512>}, {transform_indices = @transform_1, window_bounds = array<i64: 1, 1, 1024>}, {transform_indices = @transform_2, window_bounds = array<i64: 1024, 512>}, {transform_indices = @transform_3, window_bounds = array<i64: 1024, 1>}, {transform_indices = @transform_4, window_bounds = array<i64: 1024, 1>}, {transform_indices = @transform_5, window_bounds = array<i64: 1024, 1>}, {transform_indices = @transform_6, window_bounds = array<i64: 1, 1>}]} {
    %eq3A = arith.constant 0 : i32
    %eq3A_0 = arith.cmpi eq, %arg0, %eq3A : i32
    %eq3A_1 = arith.constant 0 : i32
    %eq3A_2 = arith.cmpi eq, %arg1, %eq3A_1 : i32
    %and3A = arith.andi %eq3A_0, %eq3A_2 : i1
    %convert_element_type3A = arith.extui %and3A : i1 to i32
    %cond3A = arith.constant 0 : i32
    %cond3A_3 = arith.cmpi ne, %convert_element_type3A, %cond3A : i32
    scf.if %cond3A_3 {
      %swap3A_69 = arith.constant 0.000000e+00 : f32
      %swap3A_70 = arith.constant 0 : index
      %swap3A_71 = arith.constant 0 : index
      %swap3A_72 = memref.load %arg8[%swap3A_70, %swap3A_71] : memref<1x1xf32, #tpu.memory_space<smem>>
      memref.store %swap3A_69, %arg8[%swap3A_70, %swap3A_71] : memref<1x1xf32, #tpu.memory_space<smem>>
    } else {
    }
    %get3A = arith.constant 0 : index
    %get3A_4 = arith.constant 0 : index
    %get3A_5 = vector.load %arg4[%get3A, %get3A_4] : memref<1024x512xbf16, #tpu.memory_space<vmem>>, vector<1024x512xbf16>
    %get3A_6 = arith.constant 0 : index
    %get3A_7 = arith.constant 0 : index
    %get3A_8 = arith.constant 0 : index
    %get3A_9 = vector.load %arg2[%get3A_6, %get3A_7, %get3A_8] : memref<1x1024x512xbf16, #tpu.memory_space<vmem>>, vector<1x1024x512xbf16>
    %get3A_10 = vector.shape_cast %get3A_9 : vector<1x1024x512xbf16> to vector<1024x512xbf16>
    %dot_general3A = arith.constant dense<0.000000e+00> : vector<1024x1024xf32>
    %dot_general3A_11 = tpu.matmul %get3A_5, %get3A_10, %dot_general3A {dimension_numbers = #tpu.dot_dimension_numbers<[1], [1], [0], [0], [0, 0, 1, 0], [], []>, transpose_lhs_hint = false} : vector<1024x512xbf16>, vector<1024x512xbf16>, vector<1024x1024xf32> -> vector<1024x1024xf32>
    %get3A_12 = arith.constant 0 : index
    %get3A_13 = arith.constant 0 : index
    %get3A_14 = vector.load %arg5[%get3A_12, %get3A_13] : memref<1024x1xf32, #tpu.memory_space<vmem>>, vector<1024x1xf32>
    %get3A_15 = arith.constant 0 : index
    %get3A_16 = arith.constant 0 : index
    %get3A_17 = arith.constant 0 : index
    %get3A_18 = vector.load %arg3[%get3A_15, %get3A_16, %get3A_17] : memref<1x1x1024xf32, #tpu.memory_space<vmem>>, vector<1x1x1024xf32>
    %get3A_19 = vector.shape_cast %get3A_18 : vector<1x1x1024xf32> to vector<1x1024xf32>
    %mul3A = arith.constant 2.000000e+00 : f32
    %mul3A_20 = vector.broadcast %mul3A : f32 to vector<1024x1024xf32>
    %mul3A_21 = arith.mulf %mul3A_20, %dot_general3A_11 : vector<1024x1024xf32>
    %sub3A = vector.broadcast %get3A_19 : vector<1x1024xf32> to vector<1024x1024xf32>
    %sub3A_22 = arith.subf %sub3A, %mul3A_21 : vector<1024x1024xf32>
    %get3A_23 = arith.constant 0 : index
    %get3A_24 = arith.constant 0 : index
    %get3A_25 = vector.load %arg6[%get3A_23, %get3A_24] : memref<1024x1xf32, #tpu.memory_space<vmem>>, vector<1024x1xf32>
    %iota3A = tpu.iota {dimensions = array<i32: 1>} : vector<1024x1024xi32>
    %convert_element_type3A_26 = arith.sitofp %iota3A : vector<1024x1024xi32> to vector<1024x1024xf32>
    %eq3A_27 = vector.broadcast %get3A_25 : vector<1024x1xf32> to vector<1024x1024xf32>
    %eq3A_28 = arith.cmpf oeq, %convert_element_type3A_26, %eq3A_27 : vector<1024x1024xf32>
    %jit3A = arith.constant 1.000000e+30 : f32
    %broadcast_in_dim3A = vector.broadcast %jit3A : f32 to vector<1024x1024xf32>
    %select_n3A = arith.select %eq3A_28, %broadcast_in_dim3A, %sub3A_22 : vector<1024x1024xi1>, vector<1024x1024xf32>
    %reduce_min3A = arith.constant dense<0x7F800000> : vector<1024xf32>
    %reduce_min3A_29 = vector.multi_reduction <minimumf>, %select_n3A, %reduce_min3A [1] : vector<1024x1024xf32> to vector<1024xf32>
    %broadcast_in_dim3A_30 = vector.shape_cast %reduce_min3A_29 : vector<1024xf32> to vector<1024x1xf32>
    %jit3A_31 = arith.constant 0.000000e+00 : f32
    %broadcast_in_dim3A_32 = vector.broadcast %jit3A_31 : f32 to vector<1024x1024xf32>
    %select_n3A_33 = arith.select %eq3A_28, %sub3A_22, %broadcast_in_dim3A_32 : vector<1024x1024xi1>, vector<1024x1024xf32>
    %reduce_sum3A = arith.constant dense<0.000000e+00> : vector<1024xf32>
    %reduce_sum3A_34 = vector.multi_reduction <add>, %select_n3A_33, %reduce_sum3A [1] : vector<1024x1024xf32> to vector<1024xf32>
    %broadcast_in_dim3A_35 = vector.shape_cast %reduce_sum3A_34 : vector<1024xf32> to vector<1024x1xf32>
    %add3A = arith.addf %get3A_14, %broadcast_in_dim3A_30 : vector<1024x1xf32>
    %max3A = arith.constant 9.99999996E-13 : f32
    %max3A_36 = vector.broadcast %max3A : f32 to vector<1024x1xf32>
    %max3A_37 = arith.maximumf %add3A, %max3A_36 : vector<1024x1xf32>
    %add3A_38 = arith.addf %get3A_14, %broadcast_in_dim3A_35 : vector<1024x1xf32>
    %max3A_39 = arith.constant 9.99999996E-13 : f32
    %max3A_40 = vector.broadcast %max3A_39 : f32 to vector<1024x1xf32>
    %max3A_41 = arith.maximumf %add3A_38, %max3A_40 : vector<1024x1xf32>
    %get3A_42 = arith.constant 0 : index
    %get3A_43 = arith.constant 0 : index
    %get3A_44 = vector.load %arg7[%get3A_42, %get3A_43] : memref<1024x1xf32, #tpu.memory_space<vmem>>, vector<1024x1xf32>
    %sub3A_45 = arith.subf %max3A_41, %max3A_37 : vector<1024x1xf32>
    %add3A_46 = arith.constant 3.000000e-01 : f32
    %add3A_47 = vector.broadcast %add3A_46 : f32 to vector<1024x1xf32>
    %add3A_48 = arith.addf %sub3A_45, %add3A_47 : vector<1024x1xf32>
    %max3A_49 = arith.constant 0.000000e+00 : f32
    %max3A_50 = vector.broadcast %max3A_49 : f32 to vector<1024x1xf32>
    %max3A_51 = arith.maximumf %add3A_48, %max3A_50 : vector<1024x1xf32>
    %convert_element_type3A_52 = arith.sitofp %arg0 : i32 to f32
    %eq3A_53 = vector.broadcast %convert_element_type3A_52 : f32 to vector<1024x1xf32>
    %eq3A_54 = arith.cmpf oeq, %get3A_44, %eq3A_53 : vector<1024x1xf32>
    %jit3A_55 = arith.constant 0.000000e+00 : f32
    %broadcast_in_dim3A_56 = vector.broadcast %jit3A_55 : f32 to vector<1024x1xf32>
    %select_n3A_57 = arith.select %eq3A_54, %max3A_51, %broadcast_in_dim3A_56 : vector<1024x1xi1>, vector<1024x1xf32>
    %get3A_58 = arith.constant 0 : index
    %get3A_59 = arith.constant 0 : index
    %get3A_60 = memref.load %arg8[%get3A_58, %get3A_59] : memref<1x1xf32, #tpu.memory_space<smem>>
    %reduce_sum3A_61 = vector.shape_cast %select_n3A_57 : vector<1024x1xf32> to vector<1x1024x1xf32>
    %reduce_sum3A_62 = arith.constant dense<0.000000e+00> : vector<1xf32>
    %reduce_sum3A_63 = vector.multi_reduction <add>, %reduce_sum3A_61, %reduce_sum3A_62 [1, 2] : vector<1x1024x1xf32> to vector<1xf32>
    %reduce_sum3A_64 = vector.shape_cast %reduce_sum3A_63 : vector<1xf32> to vector<1x1x1xf32>
    %reduce_sum3A_65 = vector.extract %reduce_sum3A_64[0, 0, 0] : f32 from vector<1x1x1xf32>
    %add3A_66 = arith.addf %get3A_60, %reduce_sum3A_65 : f32
    %swap3A = arith.constant 0 : index
    %swap3A_67 = arith.constant 0 : index
    %swap3A_68 = memref.load %arg8[%swap3A, %swap3A_67] : memref<1x1xf32, #tpu.memory_space<smem>>
    memref.store %add3A_66, %arg8[%swap3A, %swap3A_67] : memref<1x1xf32, #tpu.memory_space<smem>>
    return
  }
  func.func @transform_0(%arg0: i32, %arg1: i32) -> (i32, i32, i32) {
    %c0_i32 = arith.constant 0 : i32
    %c0_i32_0 = arith.constant 0 : i32
    %c0_i32_1 = arith.constant 0 : i32
    return %arg0, %c0_i32, %c0_i32_0 : i32, i32, i32
  }
  func.func @transform_1(%arg0: i32, %arg1: i32) -> (i32, i32, i32) {
    %c0_i32 = arith.constant 0 : i32
    %c0_i32_0 = arith.constant 0 : i32
    %c0_i32_1 = arith.constant 0 : i32
    return %arg0, %c0_i32, %c0_i32_0 : i32, i32, i32
  }
  func.func @transform_2(%arg0: i32, %arg1: i32) -> (i32, i32) {
    %c0_i32 = arith.constant 0 : i32
    %c0_i32_0 = arith.constant 0 : i32
    return %arg1, %c0_i32 : i32, i32
  }
  func.func @transform_3(%arg0: i32, %arg1: i32) -> (i32, i32) {
    %c0_i32 = arith.constant 0 : i32
    %c0_i32_0 = arith.constant 0 : i32
    return %arg1, %c0_i32 : i32, i32
  }
  func.func @transform_4(%arg0: i32, %arg1: i32) -> (i32, i32) {
    %c0_i32 = arith.constant 0 : i32
    %c0_i32_0 = arith.constant 0 : i32
    return %arg1, %c0_i32 : i32, i32
  }
  func.func @transform_5(%arg0: i32, %arg1: i32) -> (i32, i32) {
    %c0_i32 = arith.constant 0 : i32
    %c0_i32_0 = arith.constant 0 : i32
    return %arg1, %c0_i32 : i32, i32
  }
  func.func @transform_6(%arg0: i32, %arg1: i32) -> (i32, i32) {
    %c0_i32 = arith.constant 0 : i32
    %c0_i32_0 = arith.constant 0 : i32
    %c0_i32_1 = arith.constant 0 : i32
    return %c0_i32, %c0_i32_0 : i32, i32
  }
}

module attributes {stable_mosaic.version = 14 : i64} {
  func.func @_combine_kernel(%arg0: i32, %arg1: memref<1x1024x512xf32, #tpu.memory_space<vmem>>, %arg2: memref<1x1024x1xf32, #tpu.memory_space<vmem>>, %arg3: memref<1000x512xf32, #tpu.memory_space<vmem>>, %arg4: memref<1x1000x512xf32, #tpu.memory_space<vmem>>) attributes {dimension_semantics = [#tpu.dimension_semantics<arbitrary>], iteration_bounds = array<i64: 8>, scalar_prefetch = 0 : i64, scratch_operands = 0 : i64, tpu.core_type = #tpu.core_type<tc>, window_params = [{transform_indices = @transform_0, window_bounds = array<i64: 1, 1024, 512>}, {transform_indices = @transform_1, window_bounds = array<i64: 1, 1024, 1>}, {transform_indices = @transform_2, window_bounds = array<i64: 1000, 512>}, {transform_indices = @transform_3, window_bounds = array<i64: 1, 1000, 512>}]} {
    %get3A = arith.constant 0 : index
    %get3A_0 = arith.constant 0 : index
    %get3A_1 = arith.constant 0 : index
    %get3A_2 = vector.load %arg1[%get3A, %get3A_0, %get3A_1] : memref<1x1024x512xf32, #tpu.memory_space<vmem>>, vector<1x1024x512xf32>
    %get3A_3 = vector.shape_cast %get3A_2 : vector<1x1024x512xf32> to vector<1024x512xf32>
    %get3A_4 = arith.constant 0 : index
    %get3A_5 = arith.constant 0 : index
    %get3A_6 = arith.constant 0 : index
    %get3A_7 = vector.load %arg2[%get3A_4, %get3A_5, %get3A_6] : memref<1x1024x1xf32, #tpu.memory_space<vmem>>, vector<1x1024x1xf32>
    %get3A_8 = vector.shape_cast %get3A_7 : vector<1x1024x1xf32> to vector<1024x1xf32>
    %ge3A = arith.constant 0.000000e+00 : f32
    %ge3A_9 = vector.broadcast %ge3A : f32 to vector<1024x1xf32>
    %ge3A_10 = arith.cmpf oge, %get3A_8, %ge3A_9 : vector<1024x1xf32>
    %jit3A = arith.constant 5.000000e-01 : f32
    %jit3A_11 = arith.constant 1.000000e+00 : f32
    %broadcast_in_dim3A = vector.broadcast %jit3A : f32 to vector<1024x1xf32>
    %broadcast_in_dim3A_12 = vector.broadcast %jit3A_11 : f32 to vector<1024x1xf32>
    %select_n3A = arith.select %ge3A_10, %broadcast_in_dim3A, %broadcast_in_dim3A_12 : vector<1024x1xi1>, vector<1024x1xf32>
    %mul3A = vector.broadcast %select_n3A : vector<1024x1xf32> to vector<1024x512xf32>
    %mul3A_13 = arith.mulf %get3A_3, %mul3A : vector<1024x512xf32>
    %slice3A = vector.extract_strided_slice %mul3A_13 {offsets = [0, 0], sizes = [1000, 512], strides = [1, 1]} : vector<1024x512xf32> to vector<1000x512xf32>
    %get3A_14 = arith.constant 0 : index
    %get3A_15 = arith.constant 0 : index
    %get3A_16 = vector.load %arg3[%get3A_14, %get3A_15] : memref<1000x512xf32, #tpu.memory_space<vmem>>, vector<1000x512xf32>
    %add3A = arith.addf %slice3A, %get3A_16 : vector<1000x512xf32>
    %swap3A = arith.constant 0 : index
    %swap3A_17 = arith.constant 0 : index
    %swap3A_18 = arith.constant 0 : index
    %swap3A_19 = vector.load %arg4[%swap3A, %swap3A_17, %swap3A_18] : memref<1x1000x512xf32, #tpu.memory_space<vmem>>, vector<1x1000x512xf32>
    %swap3A_20 = vector.shape_cast %swap3A_19 : vector<1x1000x512xf32> to vector<1000x512xf32>
    %swap3A_21 = vector.shape_cast %add3A : vector<1000x512xf32> to vector<1x1000x512xf32>
    tpu.vector_store %arg4[%swap3A, %swap3A_17, %swap3A_18], %swap3A_21 {strides = array<i32>} : memref<1x1000x512xf32, #tpu.memory_space<vmem>>, vector<1x1000x512xf32>,
    return
  }
  func.func @transform_0(%arg0: i32) -> (i32, i32, i32) {
    %c0_i32 = arith.constant 0 : i32
    %c0_i32_0 = arith.constant 0 : i32
    %c0_i32_1 = arith.constant 0 : i32
    return %arg0, %c0_i32, %c0_i32_0 : i32, i32, i32
  }
  func.func @transform_1(%arg0: i32) -> (i32, i32, i32) {
    %c0_i32 = arith.constant 0 : i32
    %c0_i32_0 = arith.constant 0 : i32
    %c0_i32_1 = arith.constant 0 : i32
    return %arg0, %c0_i32, %c0_i32_0 : i32, i32, i32
  }
  func.func @transform_2(%arg0: i32) -> (i32, i32) {
    %c0_i32 = arith.constant 0 : i32
    %c0_i32_0 = arith.constant 0 : i32
    return %arg0, %c0_i32 : i32, i32
  }
  func.func @transform_3(%arg0: i32) -> (i32, i32, i32) {
    %c0_i32 = arith.constant 0 : i32
    %c0_i32_0 = arith.constant 0 : i32
    %c0_i32_1 = arith.constant 0 : i32
    return %arg0, %c0_i32, %c0_i32_0 : i32, i32, i32
  }
}

</mosaic_0001>

<sc_bundles>
// kernel: branch_1_fun.5.cloned.1.call-start
scs
__scs_entry_jumppad:
0x0: {  	(pc) =	sbr.rel $0x88, $3  }
0x1: {  	(tag) =	ssettag $0x0;
	lr =	simm.s32 $0x1  }
0x2: {  	[smem:$0x3F9B] =	sst lr;
	_ =	strace $0xD0000000  }
0x3: {  	_ = 	snop  }
0x4: {  	_ = 	snop  }
0x5: {  	_ = 	snop  }
0x6: {  	_ = 	snop  }
0x7: {  	_ = 	snop  }
__scs_overlays_trampoline_lowered:
0x8: {  	[smem:$0x3FAA] =	sst s0  }
0x9: {  	[smem:$0x3FAB] =	sst s1  }
0xa: {  	[smem:$0x3FAC] =	sst s2  }
0xb: {  	[smem:$0x3FAD] =	sst s3  }
0xc: {  	[smem:$0x3FAE] =	sst s4  }
0xd: {  	[smem:$0x3FAF] =	sst s5  }
0xe: {  	[smem:$0x3FB0] =	sst s6  }
0xf: {  	[smem:$0x3FB1] =	sst s7  }
0x10: {  	[smem:$0x3FB2] =	sst s8  }
0x11: {  	[smem:$0x3FB3] =	sst s9;
	s0 =	simm.s32 @!p0 $0x0  }
0x12: {  	s1 =	sld [smem:$0x3F99];
	s0 =	simm.s32 @p0 $0x1  }
0x13: {  	[smem:$0x3FB4] =	sst s0;
	s0 =	simm.s32 @!p1 $0x0  }
0x14: {  	s2 =	sld [smem:$0x3F98];
	s0 =	simm.s32 @p1 $0x1  }
0x15: {  	[smem:$0x3FB5] =	sst s0;
	s0 =	simm.s32 @!p2 $0x0  }
0x16: {  	s3 =	sld [smem:$0x3FDB];
	s0 =	simm.s32 @p2 $0x1  }
0x17: {  	s4 =	simm.s32 $0x1BF5;
	[smem:$0x3FB7] =	sst s0  }
0x18: {  	s0 =	sld [smem:$0x3F9A];
	_ =	swait.ge [sflag:s4], $0x0  }
0x19: {  	s7 =	sld [smem:$0x3F9B]  }
0x1a: {  	s8 =	sadd.s32 $0xFFFFE003, lr  }
0x1b: {  	s9 =	sadd.s32 $0xFFFFFEF7, lr;
	s5 =	simm.s32 $0xFFFFFFFF;
	p2 =	slt.u32 s8, $0xFFFFF086  }
0x1c: {  	p1 =	slt.u32 s9, $0xF7A;
	s5 =	simm.s32 @!p2 $0x0  }
0x1d: {  	s5 =	simm.s32 @p1 $0x1;
	p0 =	seq.s32 s7, s2  }
0x1e: {  	s7 =	smul.u32 @!p0 $0xF7A, s2;
	p2 =	seq.s32 @!p0 s5, $0x0  }
0x1f: {  	s9 =	smul.u32 $0xF7A, s1;
	s8 =	simm.s32 @!p0 $0x1BF5;
	p2 =	por !p2, p0  }
0x20: {  	[sflag:s8] =	ssyncset.s32 @!p0 $0xFFFFF086;
	s6 =	sadd.s32 @!p0 s3, s7;
	s7 =	simm.s32 @!p0 $0x108  }
0x21: {  	s3 =	sadd.s32 s3, s9;
	s6 =	sadd.s32 @!p0 $0x88, s6;
	s7 =	simm.s32 @p2 $0x1082  }
0x22: {  	[simem:s7], [sflag:s8] =	dma.local @!p0 [hbm:s6], $0xF7A  }
0x23: {  	s9 =	sor.u32 $0xD0000000, s2;
	s6 =	simm.s32 $0x108;
	_ =	swait.ge @!p0 [sflag:s8], $0x0  }
0x24: {  	s3 =	sadd.s32 $0x88, s3;
	s6 =	simm.s32 @!p1 $0x1082;
	[sflag:s4] =	ssyncset.s32 $0xFFFFF086  }
0x25: {  	[simem:s6], [sflag:s4] =	dma.local [hbm:s3], $0xF7A  }
0x26: {  	[smem:$0x3F9B] =	sst s1;
	(tag) =	ssettag s2;
	_ =	strace s9  }
0x27: {  	s1 =	sld [smem:$0x3FAB]  }
0x28: {  	s2 =	sld [smem:$0x3FAC]  }
0x29: {  	s4 =	sld [smem:$0x3FAE]  }
0x2a: {  	p0 =	seq.s32 s5, $0x0;
	s5 =	sld [smem:$0x3FAF]  }
0x2b: {  	s6 =	sld [smem:$0x3FB0]  }
0x2c: {  	s7 =	sld [smem:$0x3FB1]  }
0x2d: {  	s3 =	simm.s32 $0x108;
	s8 =	sld [smem:$0x3FB2]  }
0x2e: {  	s3 =	simm.s32 @!p0 $0x1082;
	s9 =	sld [smem:$0x3FB3]  }
0x2f: {  	lr =	sadd.s32 s0, s3;
	s0 =	sld [smem:$0x3FAA]  }
0x30: {  	s3 =	sld [smem:$0x3FAD]  }
0x31: {  	[smem:$0x3FB6] =	sst s10  }
0x32: {  	s10 =	sld [smem:$0x3FB4];
	_ =	sdelay $0x3  }
0x33: {  	p0 =	seq.s32 s10, $0x1;
	s10 =	sld [smem:$0x3FB6];
	_ =	sdelay $0x3  }
0x34: {  	[smem:$0x3FB6] =	sst s10  }
0x35: {  	s10 =	sld [smem:$0x3FB5];
	_ =	sdelay $0x3  }
0x36: {  	p1 =	seq.s32 s10, $0x1;
	s10 =	sld [smem:$0x3FB6];
	_ =	sdelay $0x3  }
0x37: {  	[smem:$0x3FB6] =	sst s10  }
0x38: {  	s10 =	sld [smem:$0x3FB7]  }
0x39: {  	_ = 	snop;
	(pc) =	sbr.ind lr, $3  }
0x3a: {  	_ = 	snop  }
0x3b: {  	_ = 	snop  }
0x3c: {  	p2 =	seq.s32 s10, $0x1;
	s10 =	sld [smem:$0x3FB6]  }
0x3d: {  	_ =	shalt  }
0x3e: {  	_ =	shalt  }
0x3f: {  	_ =	shalt  }
0x40: {  	_ =	shalt  }
0x41: {  	_ =	shalt  }
0x42: {  	_ =	shalt  }
0x43: {  	_ =	shalt  }
0x44: {  	_ =	shalt  }
0x45: {  	_ =	shalt  }
0x46: {  	_ =	shalt  }
0x47: {  	_ =	shalt  }
0x48: {  	_ =	shalt  }
0x49: {  	_ =	shalt  }
0x4a: {  	_ =	shalt  }
0x4b: {  	_ =	shalt  }
0x4c: {  	_ =	shalt  }
0x4d: {  	_ =	shalt  }
0x4e: {  	_ =	shalt  }
0x4f: {  	_ =	shalt  }
0x50: {  	_ =	shalt  }
0x51: {  	_ =	shalt  }
0x52: {  	_ =	shalt  }
0x53: {  	_ =	shalt  }
0x54: {  	_ =	shalt  }
0x55: {  	_ =	shalt  }
0x56: {  	_ =	shalt  }
0x57: {  	_ =	shalt  }
0x58: {  	_ =	shalt  }
0x59: {  	_ =	shalt  }
0x5a: {  	_ =	shalt  }
0x5b: {  	_ =	shalt  }
0x5c: {  	_ =	shalt  }
0x5d: {  	_ =	shalt  }
0x5e: {  	_ =	shalt  }
0x5f: {  	_ =	shalt  }
0x60: {  	_ =	shalt  }
0x61: {  	_ =	shalt  }
0x62: {  	_ =	shalt  }
0x63: {  	_ =	shalt  }
0x64: {  	_ =	shalt  }
0x65: {  	_ =	shalt  }
0x66: {  	_ =	shalt  }
0x67: {  	_ =	shalt  }
0x68: {  	_ =	shalt  }
0x69: {  	_ =	shalt  }
0x6a: {  	_ =	shalt  }
0x6b: {  	_ =	shalt  }
0x6c: {  	_ =	shalt  }
0x6d: {  	_ =	shalt  }
0x6e: {  	_ =	shalt  }
0x6f: {  	_ =	shalt  }
0x70: {  	_ =	shalt  }
0x71: {  	_ =	shalt  }
0x72: {  	_ =	shalt  }
0x73: {  	_ =	shalt  }
0x74: {  	_ =	shalt  }
0x75: {  	_ =	shalt  }
0x76: {  	_ =	shalt  }
0x77: {  	_ =	shalt  }
0x78: {  	_ =	shalt  }
0x79: {  	_ =	shalt  }
0x7a: {  	_ =	shalt  }
0x7b: {  	_ =	shalt  }
0x7c: {  	_ =	shalt  }
0x7d: {  	_ =	shalt  }
0x7e: {  	_ =	shalt  }
0x7f: {  	_ =	shalt  }
0x80: {  	_ =	shalt  }
0x81: {  	_ =	shalt  }
0x82: {  	_ =	shalt  }
0x83: {  	_ =	shalt  }
0x84: {  	_ =	shalt  }
0x85: {  	_ =	shalt  }
0x86: {  	_ =	shalt  }
0x87: {  	_ =	shalt  }
.Lfunc_end0:
.L_simem_size_0:
called_computation_lowered:
.L_overlay_start_0:
0x88: {  	s2 =	sld [smem:$0x3FD9]  }
0x89: {  	s3 =	sld [smem:$0x3FFE];
	_ =	sdelay $0x1  }
0x8a: {  	s1 =	srdreg.scid  }
0x8b: {  	s0 =	sand.u32 $0x1, s1  }
0x8c: {  	s14 =	sshll.u32 s0, $0xA;
	s2 =	sadd.s32 s3, s2  }
0x8d: {  	s2 =	sadd.s32 s2, s14  }
0x8e: {  	[smem:$0x3FC2] =	sst s2  }
0x8f: {  	_ = 	snop  }
0x90: {  	s2 =	sld [smem:$0x3FD0];
	_ =	sdelay $0x2  }
0x91: {  	s15 =	simm.s32 $0xA;
	s4 =	simm.s32 $0x10  }
0x92: {  	[smem:s4], [sflag:s15] =	dma.local [hbm:s2], $0x1  }
0x93: {  	_ =	swait.eq [sflag:s15], $0x1  }
0x94: {  	[sflag:s15] =	ssyncset.done $0x0  }
0x95: {  	[sflag:s15] =	ssyncadd.s32 $0xFFFFFFFF  }
0x96: {  	s16 =	sld [smem:$0x12];
	(tm) =	ssettm $0x1  }
0x97: {  	s17 =	sld [smem:$0x3FFB];
	_ =	sdelay $0x3  }
0x98: {  	_ =	strace s17  }
0x99: {  	s3 =	sld [smem:$0x3FFC];
	_ =	sdelay $0x3  }
0x9a: {  	_ =	strace s3  }
0x9b: {  	s3 =	sld [smem:$0x3FFD];
	_ =	sdelay $0x3  }
0x9c: {  	_ =	strace s3  }
0x9d: {  	_ =	strace $0x8FFFFFFF  }
0x9e: {  	s18 =	sld [smem:$0x3FDB];
	_ =	sdelay $0x1  }
0x9f: {  	s19 =	simm.s32 $_scs_section_size  }
0xa0: {  	s5 =	simm.s32 $_size__tile_overlayer_lowered;
	s6 =	simm.s32 $_tile_overlayer_lowered  }
0xa1: {  	s22 =	simm.s32 $0x1BFF;
	s21 =	sshll.u32 s6, $0x1;
	s3 =	sadd.s32 s19, s18  }
0xa2: {  	s7 =	simm.s32 $0x0;
	s20 =	sshll.u32 s5, $0x1;
	s5 =	sadd.s32 s21, s3  }
0xa3: {  	[timem:s7], [sflag:s22] =	dma.local [hbm:s5], s20  }
0xa4: {  	_ =	swait.ge [sflag:s22], s20  }
0xa5: {  	s4 =	ssub.s32 $0x0, s20;
	[sflag:s22] =	ssyncset.done $0x0  }
0xa6: {  	[sflag:s22] =	ssyncadd.s32 s4;
	_ =	sdelay $0x1  }
0xa7: {  	s23 =	simm.s32 $0x1B8B  }
0xa8: {  	_ =	swait.ge [sflag:s23], $0x1  }
0xa9: {  	[sflag:s23] =	ssyncset.done $0x0  }
0xaa: {  	s25 =	simm.s32 $0x1B8E;
	s24 =	sld [smem:$0x3FFE];
	[sflag:s23] =	ssyncadd.s32 $0xFFFFFFFF  }
0xab: {  	s26 =	simm.s32 $execute0_lowered;
	[smem:$0x3FD2] =	sst s25  }
0xac: {  	s5 =	sshll.u32 s26, $0x1;
	_ =	strace $0x80000046;
	[dreg:$0x1] =	wrdreg $0xFFFFFFFF  }
0xad: {  	s28 =	simm.s32 $_size_execute0_lowered;
	s3 =	sadd.s32 s3, s5;
	[dreg:$0x0] =	wrdreg $0x0  }
0xae: {  	s5 =	sshll.u32 s28, $0x1;
	[dreg:$0x2] =	wrdreg s3  }
0xaf: {  	[dreg:$0x3] =	wrdreg s5  }
0xb0: {  	[dreg:$0x4] =	wrdreg $0xC0  }
0xb1: {  	_ =	task [dreg:s7], $0x5FFFF  }
0xb2: {  	[dreg:$0x1] =	wrdreg $0xFFFFFFFF  }
0xb3: {  	[dreg:$0x0] =	wrdreg $0x60  }
0xb4: {  	[dreg:$0x2] =	wrdreg s24  }
0xb5: {  	[dreg:$0x3] =	wrdreg s16  }
0xb6: {  	[dreg:$0x4] =	wrdreg $0x9  }
0xb7: {  	_ =	task.clear_ibuf [dreg:s7], $0x5FFFF;
	_ =	strace $0x90000046  }
0xb8: {  	s29 =	simm.s32 $0x9;
	_ =	strace $0x80000048  }
0xb9: {  	_ =	swait.ge [sflag:s29], $0x1  }
0xba: {  	[sflag:s29] =	ssyncadd.s32 $0xFFFFFFFF  }
0xbb: {  	_ =	strace $0x90000048  }
0xbc: {  	_ =	sfence  }
0xbd: {  	s30 =	sld [smem:$0x0];
	_ =	sdelay $0x2  }
0xbe: {  	s31 =	sshll.u32 s1, $0xD;
	s1 =	sshrl.u32 s1, $0x2  }
0xbf: {  	s3 =	sand.u32 $0x4000, s31;
	s1 =	sadd.s32 s1, s30  }
0xc0: {  	s0 =	sor.u32 s3, s0;
	s1 =	sshll.u32 s1, $0x11  }
0xc1: {  	s0 =	sor.u32 s1, s0  }
0xc2: {  	s0 =	sadd.s32 $0x8F2B, s0  }
0xc3: {  	[sflag:s0] =	ssyncadd.remote.s32 $0x1  }
0xc4: {  	_ =	sfence.sel $0xFFFF  }
0xc5: {  	[dreg:$0x0] =	wrdreg $0xFFFFFFFF;
	(pc) =	sbr.abs _section_cstart, $3  }
0xc6: {  	[dreg:$0x1] =	wrdreg $0xFFFFFFFF  }
0xc7: {  	_ =	task.clear_ibuf [dreg:s7], $0x2FFFF;
	_ =	strace $0x9FFFFFFF  }
0xc8: {  	(tm) =	ssettm $0x7FFFFFFF  }
0xc9: {  	_ =	shalt  }
tec
execute0_lowered:
.L_overlay_start_1:
0x0: {  	(tag) =	ssettag $0x1  }
0x1: {  	s2 =	stileid.u32  }
0x2: {  	s0 =	srdreg.scid;
	s1 =	sshll.u32 s2, $0x1  }
0x3: {  	v18 =	vlaneseq.u32;
	s6 =	sand.u32 $0x1, s0;
	s9 =	sand.u32 $0x2, s1  }
0x4: {  	s7 =	sshrl.u32 s2, $0x1;
	v0 =	vand.u32 $0x7, v18;
	s0 =	sor.u32 s6, s9  }
0x5: {  	s3 =	sshll.u32 s7, $0xA;
	v2 =	vmul.u32 $0x240, v0;
	s5 =	sshll.u32 s0, $0x8  }
0x6: {  	s8 =	sor.u32 s3, s5  }
0x7: {  	vm0 =	vmmov $0xffff;
	v9 =	vadd.s32 $0x200, v2;
	v1 =	vor.u32 s8, v18;
	s10 =	sor.u32 $0x10, s8;
	s11 =	sor.u32 $0x20, s8  }
0x8: {  	s12 =	sor.u32 $0x30, s8;
	s13 =	sor.u32 $0x40, s8;
	s9 =	sor.u32 $0x50, s8;
	v1 =	vshrl.u32 v1, $0x3;
	v2 =	vor.u32 s10, v18;
	v3 =	vor.u32 s11, v18  }
0x9: {  	s15 =	sor.u32 $0x60, s8;
	v4 =	vor.u32 s12, v18;
	v5 =	vor.u32 s13, v18;
	v6 =	vor.u32 s9, v18  }
0xa: {  	v7 =	vor.u32 s15, v18;
	v1 =	vand.u32 $0x21, v1;
	v2 =	vshrl.u32 v2, $0x3  }
0xb: {  	s16 =	sor.u32 $0x80, s5;
	s10 =	sor.u32 $0x70, s8;
	v3 =	vshrl.u32 v3, $0x3;
	v4 =	vshrl.u32 v4, $0x3;
	v5 =	vshrl.u32 v5, $0x3  }
0xc: {  	s11 =	sor.u32 s3, s16;
	v6 =	vshrl.u32 v6, $0x3;
	v7 =	vshrl.u32 v7, $0x3;
	v8 =	vor.u32 s10, v18  }
0xd: {  	v10 =	vor.u32 s11, v18;
	v1 =	vor.u32 v9, v1;
	v2 =	vand.u32 $0x3F, v2  }
0xe: {  	v3 =	vand.u32 $0x3F, v3;
	v4 =	vand.u32 $0x3F, v4;
	v5 =	vand.u32 $0x3F, v5  }
0xf: {  	s17 =	sor.u32 $0x10, s11;
	s18 =	sor.u32 $0x20, s11;
	v6 =	vand.u32 $0x3F, v6;
	v7 =	vand.u32 $0x3F, v7;
	v8 =	vshrl.u32 v8, $0x3  }
0x10: {  	s20 =	sor.u32 $0x30, s11;
	v10 =	vshrl.u32 v10, $0x3;
	v11 =	vor.u32 s17, v18;
	v12 =	vor.u32 s18, v18  }
0x11: {  	s4 =	rddreg [dreg:$0x0];
	v14 =	vor.u32 s20, v18;
	v2 =	vor.u32 v9, v2;
	v3 =	vor.u32 v9, v3  }
0x12: {  	s14 =	rddreg [dreg:$0x1];
	v4 =	vor.u32 v9, v4;
	v5 =	vor.u32 v9, v5;
	v6 =	vor.u32 v9, v6  }
0x13: {  	s28 =	simm.s32 $0x5100;
	s29 =	simm.s32 $0x5900;
	s30 =	simm.s32 $0x6100;
	v7 =	vor.u32 v9, v7;
	v8 =	vand.u32 $0x3F, v8;
	v10 =	vand.u32 $0x3F, v10  }
0x14: {  	s2 =	simm.s32 $0x0;
	s7 =	smul.u32 $0x3E8, s7;
	s23 =	sor.u32 $0x40, s11;
	v8 =	vor.u32 v9, v8;
	v9 =	vor.u32 v9, v10;
	v10 =	vand.u32 $0x7, v11  }
0x15: {  	s31 =	simm.s32 $0x6900;
	[smem:$0x7FF] =	sst s2;
	s25 =	sor.u32 $0x60, s11;
	v15 =	vor.u32 s23, v18;
	v11 =	vshrl.u32 v11, $0x3;
	v10 =	vmul.u32 $0x240, v10  }
0x16: {  	_ =	strace $0x80000047;
	s6 =	ssub.s32 $0x2, s6;
	s5 =	sadd.s32 s7, s5;
	v17 =	vor.u32 s25, v18;
	v13 =	vand.u32 $0x7, v12;
	v11 =	vand.u32 $0x3F, v11  }
0x17: {  	p0 =	seq.s32 s0, $0x3;
	s5 =	sshll.u32 s5, $0x6;
	s22 =	sadd.s32 s7, s16;
	v10 =	vor.u32 v11, v10;
	v11 =	vmul.u32 $0x240, v13;
	v13 =	vand.u32 $0x7, v14  }
0x18: {  	s7 =	simm.s32 $0x2;
	s12 =	sadd.s32 $0x9A000, s4;
	s26 =	sor.u32 $0x70, s11;
	v12 =	vshrl.u32 v12, $0x3;
	v14 =	vshrl.u32 v14, $0x3;
	v13 =	vmul.u32 $0x240, v13  }
0x19: {  	s3 =	sadd.s32 $0x2000, s4;
	s8 =	sshrl.u32 s8, $0x3;
	s13 =	sshrl.u32 s6, $0x1;
	v19 =	vor.u32 s26, v18;
	v12 =	vand.u32 $0x3F, v12;
	v14 =	vand.u32 $0x3F, v14  }
0x1a: {  	s5 =	sadd.s32 s14, s5;
	s4 =	sadd.s32 $0x2100, s4;
	s24 =	sor.u32 $0x50, s11;
	v11 =	vor.u32 v12, v11;
	v12 =	vor.u32 v14, v13;
	v13 =	vand.u32 $0x7, v15  }
0x1b: {  	s16 =	simm.s32 $0x1;
	s9 =	simm.s32 $0x8100;
	s15 =	simm.s32 $0xB100;
	v14 =	vshrl.u32 v15, $0x3;
	v15 =	vor.u32 s24, v18;
	v13 =	vmul.u32 $0x240, v13  }
0x1c: {  	s8 =	sadd.s32 s12, s8;
	s19 =	sshrl.u32 s11, $0x3;
	s6 =	ssub.s32 s6, s13;
	v10 =	vadd.s32 $0x200, v10;
	v14 =	vand.u32 $0x3F, v14;
	v16 =	vand.u32 $0x7, v15  }
0x1d: {  	[dreg:$0x4] =	wrdreg s5;
	s5 =	sshll.u32 s22, $0x6;
	s22 =	simm.s32 $0x2900;
	v13 =	vor.u32 v14, v13;
	v14 =	vmul.u32 $0x240, v16;
	v16 =	vand.u32 $0x7, v17  }
0x1e: {  	s10 =	simm.s32 $0x8900;
	s11 =	simm.s32 $0x9100;
	s13 =	simm.s32 $0xA100;
	v15 =	vshrl.u32 v15, $0x3;
	v17 =	vshrl.u32 v17, $0x3;
	v16 =	vmul.u32 $0x240, v16  }
0x1f: {  	[dreg:$0x3] =	wrdreg s8;
	s21 =	sadd.s32 s12, s19;
	s1 =	sadd.s32 s14, s5;
	v11 =	vadd.s32 $0x200, v11;
	v15 =	vand.u32 $0x3F, v15;
	v17 =	vand.u32 $0x3F, v17  }
0x20: {  	s6 =	smax.u32 s6, $0x1;
	s5 =	simm.s32 $0x100;
	s19 =	simm.s32 $0x1100;
	v14 =	vor.u32 v15, v14;
	v15 =	vor.u32 v17, v16;
	v16 =	vand.u32 $0x7, v19  }
0x21: {  	s20 =	simm.s32 $0x1900;
	s23 =	simm.s32 $0x3100;
	s25 =	simm.s32 $0x4100;
	v12 =	vadd.s32 $0x200, v12;
	v17 =	vshrl.u32 v19, $0x3;
	v16 =	vmul.u32 $0x240, v16  }
0x22: {  	s26 =	simm.s32 $0x4900;
	s12 =	simm.s32 $0x9900;
	[dreg:$0x5] =	wrdreg s21;
	v13 =	vadd.s32 $0x200, v13;
	v14 =	vadd.s32 $0x200, v14;
	v17 =	vand.u32 $0x3F, v17  }
0x23: {  	s14 =	simm.s32 $0xA900;
	s8 =	simm.s32 $0xB900;
	[dreg:$0x6] =	wrdreg s1;
	v15 =	vadd.s32 $0x200, v15;
	v16 =	vor.u32 v17, v16;
	v17 =	vshrl.u32 v18, $0x3  }
0x24: {  	s21 =	simm.s32 $0x2100;
	s1 =	simm.s32 $0x7100;
	s24 =	simm.s32 $0x3900;
	v18 =	vor.u32 $0x8, v18;
	v16 =	vadd.s32 $0x200, v16;
	v17 =	vmul.u32 $0x8, v17  }
.LBB2_1:
0x25: {  	s17 =	rddreg [dreg:$0x3]  }
0x26: {  	[tilespmem:s2], [sflag:$0x2] =	stream.linear.gather [hbm4b:s17+s2], $0x80, $0x38;
	[tilespmem:$0x10100] =	vst v63  }
0x27: {  	_ =	swait.ge [sflag:s7], $0x80  }
0x28: {  	[sflag:s7] =	ssyncset.done $0x0  }
0x29: {  	[sflag:s7] =	ssyncadd.s32 $0xFFFFFF80  }
0x2a: {  	v19 =	vld [tilespmem:$0x0]  }
0x2b: {  	v20 =	vld [tilespmem:$0x10]  }
0x2c: {  	v21 =	vld [tilespmem:$0x20]  }
0x2d: {  	v24 =	vld [tilespmem:$0x30]  }
0x2e: {  	v26 =	vld [tilespmem:$0x40]  }
0x2f: {  	v27 =	vld [tilespmem:$0x50]  }
0x30: {  	v55 =	vld [tilespmem:$0x60]  }
0x31: {  	v29 =	vld [tilespmem:$0x70];
	v22 =	vtrunc.f32 v19  }
0x32: {  	v23 =	vtrunc.f32 v20;
	v48 =	vtrunc.f32 v21  }
0x33: {  	v51 =	vtrunc.f32 v24;
	v28 =	vtrunc.f32 v26  }
0x34: {  	vm1 =	vge.f32 v19, $0.0e+00;
	v59 =	vtrunc.f32 v27;
	v22 =	vcvt.f32.s32 v22  }
0x35: {  	vm2 =	vge.f32 v21, $0.0e+00;
	v61 =	vtrunc.f32 v55;
	v23 =	vcvt.f32.s32 v23  }
0x36: {  	v63 =	vtrunc.f32 v29;
	v53 =	vcvt.f32.s32 v28;
	v25 =	vshra.s32 v22, $0x3  }
0x37: {  	v60 =	vcvt.f32.s32 v59;
	v49 =	vshra.s32 v23, $0x3;
	v19 =	vand.u32 $0xFFFFFFC0, v25  }
0x38: {  	v57 =	vshra.s32 v53, $0x3;
	v25 =	vcvt.f32.s32 v48;
	v19 =	vadd.s32 v22, v19  }
0x39: {  	v19 =	vsel vm1, v19, v1;
	vm1 =	vge.f32 v20, $0.0e+00;
	v20 =	vand.u32 $0xFFFFFFC0, v49  }
0x3a: {  	v58 =	vand.u32 $0xFFFFFFC0, v57;
	v50 =	vshra.s32 v25, $0x3;
	v20 =	vadd.s32 v23, v20  }
0x3b: {  	v22 =	vand.u32 $0xFFFFFFC0, v50;
	v23 =	vcvt.f32.s32 v51;
	v62 =	vshll.u32 v19, $0x2  }
0x3c: {  	v30 =	vand.u32 $0x7, v19;
	v52 =	vadd.s32 v25, v22;
	v20 =	vsel vm1, v20, v2  }
0x3d: {  	vm1 =	vge.f32 v24, $0.0e+00;
	v22 =	vadd.s32 v53, v58;
	v54 =	vshra.s32 v23, $0x3  }
0x3e: {  	v25 =	vshra.s32 v60, $0x3;
	v21 =	vsel vm2, v52, v3;
	v56 =	vand.u32 $0xFFFFFFC0, v54  }
0x3f: {  	vm2 =	vge.f32 v26, $0.0e+00;
	v26 =	vcvt.f32.s32 v61;
	v23 =	vadd.s32 v23, v56  }
0x40: {  	v23 =	vsel vm1, v23, v4;
	vm1 =	vge.f32 v27, $0.0e+00;
	v27 =	vand.u32 $0xFFFFFFE0, v62  }
0x41: {  	[tilespmem:$0x80] =	vst v19;
	v19 =	vand.u32 $0xFFFFFFC0, v25;
	v25 =	vcvt.f32.s32 v63;
	v27 =	vor.u32 v30, v27  }
0x42: {  	[tilespmem:$0x90] =	vst v20;
	v22 =	vsel vm2, v22, v5;
	v19 =	vadd.s32 v60, v19;
	v30 =	vperm.xlane v27, v0  }
0x43: {  	[tilespmem:$0xA0] =	vst v21;
	vm2 =	vge.f32 v55, $0.0e+00;
	v20 =	vshra.s32 v26, $0x3;
	v28 =	vshra.s32 v25, $0x3  }
0x44: {  	[tilespmem:$0xC0] =	vst v22;
	v20 =	vand.u32 $0xFFFFFFC0, v20;
	v21 =	vand.u32 $0xFFFFFFC0, v28;
	v31 =	vadd.s32 v17, v30  }
0x45: {  	[tilespmem:$0xB0] =	vst v23;
	v20 =	vadd.s32 v26, v20;
	v19 =	vsel vm1, v19, v6;
	vm1 =	vge.f32 v29, $0.0e+00  }
0x46: {  	v20 =	vsel vm2, v20, v7;
	[tilespmem:$0xD0] =	vst v19;
	v19 =	vadd.s32 v25, v21;
	v32 =	vperm.xlane v27, v18  }
0x47: {  	[tilespmem:$0xE0] =	vst v20;
	v19 =	vsel vm1, v19, v8  }
0x48: {  	[tilespmem:$0xF0] =	vst v19;
	v19 =	vadd.s32 v17, v32  }
0x49: {  	[tilespmem:s5], [sflag:$0x1] =	stream.indirect_vreg.gather [hbm4b:s3+s2], $0x80, v31, vm0, $0xb8;
	[tilespmem:$0x10100] =	vst v63  }
0x4a: {  	s18 =	simm.s32 $0x900  }
0x4b: {  	[tilespmem:s18], [sflag:$0x1] =	stream.indirect_vreg.gather [hbm4b:s4+s2], $0x80, v31, vm0, $0xb8;
	[tilespmem:$0x10100] =	vst v63  }
0x4c: {  	_ = 	snop  }
0x4d: {  	[tilespmem:s19], [sflag:$0x1] =	stream.indirect_vreg.gather [hbm4b:s3+s2], $0x80, v19, vm0, $0xb8;
	[tilespmem:$0x10100] =	vst v63  }
0x4e: {  	_ = 	snop  }
0x4f: {  	[tilespmem:s20], [sflag:$0x1] =	stream.indirect_vreg.gather [hbm4b:s4+s2], $0x80, v19, vm0, $0xb8;
	[tilespmem:$0x10100] =	vst v63  }
0x50: {  	v19 =	vld [tilespmem:$0x90];
	_ =	sdelay $0x4  }
0x51: {  	v20 =	vshll.u32 v19, $0x2  }
0x52: {  	v19 =	vand.u32 $0x7, v19;
	v20 =	vand.u32 $0xFFFFFFE0, v20  }
0x53: {  	v19 =	vor.u32 v19, v20  }
0x54: {  	v20 =	vperm.xlane v19, v0;
	_ =	sdelay $0x1  }
0x55: {  	v20 =	vadd.s32 v17, v20;
	_ =	sdelay $0x1  }
0x56: {  	v19 =	vperm.xlane v19, v18;
	_ =	sdelay $0x1  }
0x57: {  	v19 =	vadd.s32 v17, v19  }
0x58: {  	[tilespmem:s21], [sflag:$0x1] =	stream.indirect_vreg.gather [hbm4b:s3+s2], $0x80, v20, vm0, $0xb8;
	[tilespmem:$0x10100] =	vst v63  }
0x59: {  	_ = 	snop  }
0x5a: {  	[tilespmem:s22], [sflag:$0x1] =	stream.indirect_vreg.gather [hbm4b:s4+s2], $0x80, v20, vm0, $0xb8;
	[tilespmem:$0x10100] =	vst v63  }
0x5b: {  	_ = 	snop  }
0x5c: {  	[tilespmem:s23], [sflag:$0x1] =	stream.indirect_vreg.gather [hbm4b:s3+s2], $0x80, v19, vm0, $0xb8;
	[tilespmem:$0x10100] =	vst v63  }
0x5d: {  	_ = 	snop  }
0x5e: {  	[tilespmem:s24], [sflag:$0x1] =	stream.indirect_vreg.gather [hbm4b:s4+s2], $0x80, v19, vm0, $0xb8;
	[tilespmem:$0x10100] =	vst v63  }
0x5f: {  	v19 =	vld [tilespmem:$0xA0];
	_ =	sdelay $0x4  }
0x60: {  	v20 =	vshll.u32 v19, $0x2  }
0x61: {  	v19 =	vand.u32 $0x7, v19;
	v20 =	vand.u32 $0xFFFFFFE0, v20  }
0x62: {  	v19 =	vor.u32 v19, v20  }
0x63: {  	v20 =	vperm.xlane v19, v0;
	_ =	sdelay $0x1  }
0x64: {  	v20 =	vadd.s32 v17, v20;
	_ =	sdelay $0x1  }
0x65: {  	v19 =	vperm.xlane v19, v18;
	_ =	sdelay $0x1  }
0x66: {  	v19 =	vadd.s32 v17, v19  }
0x67: {  	[tilespmem:s25], [sflag:$0x1] =	stream.indirect_vreg.gather [hbm4b:s3+s2], $0x80, v20, vm0, $0xb8;
	[tilespmem:$0x10100] =	vst v63  }
0x68: {  	_ = 	snop  }
0x69: {  	[tilespmem:s26], [sflag:$0x1] =	stream.indirect_vreg.gather [hbm4b:s4+s2], $0x80, v20, vm0, $0xb8;
	[tilespmem:$0x10100] =	vst v63  }
0x6a: {  	_ = 	snop  }
0x6b: {  	[tilespmem:s28], [sflag:$0x1] =	stream.indirect_vreg.gather [hbm4b:s3+s2], $0x80, v19, vm0, $0xb8;
	[tilespmem:$0x10100] =	vst v63  }
0x6c: {  	_ = 	snop  }
0x6d: {  	[tilespmem:s29], [sflag:$0x1] =	stream.indirect_vreg.gather [hbm4b:s4+s2], $0x80, v19, vm0, $0xb8;
	[tilespmem:$0x10100] =	vst v63  }
0x6e: {  	v19 =	vld [tilespmem:$0xB0];
	_ =	sdelay $0x4  }
0x6f: {  	v20 =	vshll.u32 v19, $0x2  }
0x70: {  	v19 =	vand.u32 $0x7, v19;
	v20 =	vand.u32 $0xFFFFFFE0, v20  }
0x71: {  	v19 =	vor.u32 v19, v20  }
0x72: {  	v20 =	vperm.xlane v19, v0;
	_ =	sdelay $0x1  }
0x73: {  	v20 =	vadd.s32 v17, v20;
	_ =	sdelay $0x1  }
0x74: {  	v19 =	vperm.xlane v19, v18;
	_ =	sdelay $0x1  }
0x75: {  	v19 =	vadd.s32 v17, v19  }
0x76: {  	[tilespmem:s30], [sflag:$0x1] =	stream.indirect_vreg.gather [hbm4b:s3+s2], $0x80, v20, vm0, $0xb8;
	[tilespmem:$0x10100] =	vst v63  }
0x77: {  	_ = 	snop  }
0x78: {  	[tilespmem:s31], [sflag:$0x1] =	stream.indirect_vreg.gather [hbm4b:s4+s2], $0x80, v20, vm0, $0xb8;
	[tilespmem:$0x10100] =	vst v63  }
0x79: {  	_ = 	snop  }
0x7a: {  	[tilespmem:s1], [sflag:$0x1] =	stream.indirect_vreg.gather [hbm4b:s3+s2], $0x80, v19, vm0, $0xb8;
	[tilespmem:$0x10100] =	vst v63  }
0x7b: {  	s0 =	simm.s32 $0x7900  }
0x7c: {  	[tilespmem:s0], [sflag:$0x1] =	stream.indirect_vreg.gather [hbm4b:s4+s2], $0x80, v19, vm0, $0xb8;
	[tilespmem:$0x10100] =	vst v63  }
0x7d: {  	v19 =	vld [tilespmem:$0xC0];
	_ =	sdelay $0x4  }
0x7e: {  	v20 =	vshll.u32 v19, $0x2  }
0x7f: {  	v19 =	vand.u32 $0x7, v19;
	v20 =	vand.u32 $0xFFFFFFE0, v20  }
0x80: {  	v19 =	vor.u32 v19, v20  }
0x81: {  	v20 =	vperm.xlane v19, v0;
	_ =	sdelay $0x1  }
0x82: {  	v20 =	vadd.s32 v17, v20;
	_ =	sdelay $0x1  }
0x83: {  	v19 =	vperm.xlane v19, v18;
	_ =	sdelay $0x1  }
0x84: {  	v19 =	vadd.s32 v17, v19  }
0x85: {  	[tilespmem:s9], [sflag:$0x1] =	stream.indirect_vreg.gather [hbm4b:s3+s2], $0x80, v20, vm0, $0xb8;
	[tilespmem:$0x10100] =	vst v63  }
0x86: {  	_ = 	snop  }
0x87: {  	[tilespmem:s10], [sflag:$0x1] =	stream.indirect_vreg.gather [hbm4b:s4+s2], $0x80, v20, vm0, $0xb8;
	[tilespmem:$0x10100] =	vst v63  }
0x88: {  	_ = 	snop  }
0x89: {  	[tilespmem:s11], [sflag:$0x1] =	stream.indirect_vreg.gather [hbm4b:s3+s2], $0x80, v19, vm0, $0xb8;
	[tilespmem:$0x10100] =	vst v63  }
0x8a: {  	_ = 	snop  }
0x8b: {  	[tilespmem:s12], [sflag:$0x1] =	stream.indirect_vreg.gather [hbm4b:s4+s2], $0x80, v19, vm0, $0xb8;
	[tilespmem:$0x10100] =	vst v63  }
0x8c: {  	v19 =	vld [tilespmem:$0xD0];
	_ =	sdelay $0x4  }
0x8d: {  	v20 =	vshll.u32 v19, $0x2  }
0x8e: {  	v19 =	vand.u32 $0x7, v19;
	v20 =	vand.u32 $0xFFFFFFE0, v20  }
0x8f: {  	v19 =	vor.u32 v19, v20  }
0x90: {  	v20 =	vperm.xlane v19, v0;
	_ =	sdelay $0x1  }
0x91: {  	v20 =	vadd.s32 v17, v20;
	_ =	sdelay $0x1  }
0x92: {  	v19 =	vperm.xlane v19, v18;
	_ =	sdelay $0x1  }
0x93: {  	v19 =	vadd.s32 v17, v19  }
0x94: {  	[tilespmem:s13], [sflag:$0x1] =	stream.indirect_vreg.gather [hbm4b:s3+s2], $0x80, v20, vm0, $0xb8;
	[tilespmem:$0x10100] =	vst v63  }
0x95: {  	_ = 	snop  }
0x96: {  	[tilespmem:s14], [sflag:$0x1] =	stream.indirect_vreg.gather [hbm4b:s4+s2], $0x80, v20, vm0, $0xb8;
	[tilespmem:$0x10100] =	vst v63  }
0x97: {  	_ = 	snop  }
0x98: {  	[tilespmem:s15], [sflag:$0x1] =	stream.indirect_vreg.gather [hbm4b:s3+s2], $0x80, v19, vm0, $0xb8;
	[tilespmem:$0x10100] =	vst v63  }
0x99: {  	_ = 	snop  }
0x9a: {  	[tilespmem:s8], [sflag:$0x1] =	stream.indirect_vreg.gather [hbm4b:s4+s2], $0x80, v19, vm0, $0xb8;
	[tilespmem:$0x10100] =	vst v63  }
0x9b: {  	v19 =	vld [tilespmem:$0xE0];
	_ =	sdelay $0x4  }
0x9c: {  	v20 =	vshll.u32 v19, $0x2  }
0x9d: {  	v19 =	vand.u32 $0x7, v19;
	v20 =	vand.u32 $0xFFFFFFE0, v20  }
0x9e: {  	v19 =	vor.u32 v19, v20  }
0x9f: {  	v20 =	vperm.xlane v19, v0;
	_ =	sdelay $0x1  }
0xa0: {  	v20 =	vadd.s32 v17, v20;
	_ =	sdelay $0x1  }
0xa1: {  	v19 =	vperm.xlane v19, v18;
	_ =	sdelay $0x1  }
0xa2: {  	s17 =	simm.s32 $0xC100;
	v19 =	vadd.s32 v17, v19  }
0xa3: {  	[tilespmem:s17], [sflag:$0x1] =	stream.indirect_vreg.gather [hbm4b:s3+s2], $0x80, v20, vm0, $0xb8;
	[tilespmem:$0x10100] =	vst v63  }
0xa4: {  	s17 =	simm.s32 $0xC900  }
0xa5: {  	[tilespmem:s17], [sflag:$0x1] =	stream.indirect_vreg.gather [hbm4b:s4+s2], $0x80, v20, vm0, $0xb8;
	[tilespmem:$0x10100] =	vst v63  }
0xa6: {  	s17 =	simm.s32 $0xD100  }
0xa7: {  	[tilespmem:s17], [sflag:$0x1] =	stream.indirect_vreg.gather [hbm4b:s3+s2], $0x80, v19, vm0, $0xb8;
	[tilespmem:$0x10100] =	vst v63  }
0xa8: {  	s17 =	simm.s32 $0xD900  }
0xa9: {  	[tilespmem:s17], [sflag:$0x1] =	stream.indirect_vreg.gather [hbm4b:s4+s2], $0x80, v19, vm0, $0xb8;
	[tilespmem:$0x10100] =	vst v63  }
0xaa: {  	v19 =	vld [tilespmem:$0xF0];
	_ =	sdelay $0x4  }
0xab: {  	v20 =	vshll.u32 v19, $0x2  }
0xac: {  	v19 =	vand.u32 $0x7, v19;
	v20 =	vand.u32 $0xFFFFFFE0, v20  }
0xad: {  	v19 =	vor.u32 v19, v20  }
0xae: {  	v20 =	vperm.xlane v19, v0;
	_ =	sdelay $0x1  }
0xaf: {  	v20 =	vadd.s32 v17, v20;
	_ =	sdelay $0x1  }
0xb0: {  	v19 =	vperm.xlane v19, v18;
	_ =	sdelay $0x1  }
0xb1: {  	s17 =	simm.s32 $0xE100;
	v19 =	vadd.s32 v17, v19  }
0xb2: {  	[tilespmem:s17], [sflag:$0x1] =	stream.indirect_vreg.gather [hbm4b:s3+s2], $0x80, v20, vm0, $0xb8;
	[tilespmem:$0x10100] =	vst v63  }
0xb3: {  	s17 =	simm.s32 $0xE900  }
0xb4: {  	[tilespmem:s17], [sflag:$0x1] =	stream.indirect_vreg.gather [hbm4b:s4+s2], $0x80, v20, vm0, $0xb8;
	[tilespmem:$0x10100] =	vst v63  }
0xb5: {  	s17 =	simm.s32 $0xF100  }
0xb6: {  	[tilespmem:s17], [sflag:$0x1] =	stream.indirect_vreg.gather [hbm4b:s3+s2], $0x80, v19, vm0, $0xb8;
	[tilespmem:$0x10100] =	vst v63  }
0xb7: {  	s17 =	simm.s32 $0xF900  }
0xb8: {  	[tilespmem:s17], [sflag:$0x1] =	stream.indirect_vreg.gather [hbm4b:s4+s2], $0x80, v19, vm0, $0xb8;
	[tilespmem:$0x10100] =	vst v63  }
0xb9: {  	_ =	swait.ge [sflag:s16], $0x10000  }
0xba: {  	[sflag:s16] =	ssyncset.done $0x0  }
0xbb: {  	s17 =	rddreg [dreg:$0x4];
	[sflag:s16] =	ssyncadd.s32 $0xFFFF0000  }
0xbc: {  	[hbm4b:s17+s2] =	stream.linear.scatter [tilespmem:s5], [sflag:$0x2], $0x10000, $0x38;
	[tilespmem:$0x10100] =	vst v63  }
0xbd: {  	_ =	swait.ge [sflag:s7], $0x10000  }
0xbe: {  	[sflag:s7] =	ssyncset.done $0x0  }
0xbf: {  	s17 =	rddreg [dreg:$0x5];
	[sflag:s7] =	ssyncadd.s32 $0xFFFF0000  }
0xc0: {  	[tilespmem:s2], [sflag:$0x2] =	stream.linear.gather [hbm4b:s17+s2], $0x80, $0x38;
	[tilespmem:$0x10100] =	vst v63  }
0xc1: {  	_ =	swait.ge [sflag:s7], $0x80  }
0xc2: {  	[sflag:s7] =	ssyncset.done $0x0  }
0xc3: {  	[sflag:s7] =	ssyncadd.s32 $0xFFFFFF80  }
0xc4: {  	v19 =	vld [tilespmem:$0x0]  }
0xc5: {  	v20 =	vld [tilespmem:$0x10]  }
0xc6: {  	v33 =	vld [tilespmem:$0x20]  }
0xc7: {  	v36 =	vld [tilespmem:$0x30]  }
0xc8: {  	v39 =	vld [tilespmem:$0x40]  }
0xc9: {  	v41 =	vld [tilespmem:$0x50]  }
0xca: {  	v47 =	vld [tilespmem:$0x60]  }
0xcb: {  	v51 =	vld [tilespmem:$0x70];
	_ =	sdelay $0x1  }
0xcc: {  	v34 =	vtrunc.f32 v19;
	v35 =	vtrunc.f32 v20  }
0xcd: {  	v38 =	vtrunc.f32 v33;
	v43 =	vtrunc.f32 v36  }
0xce: {  	v45 =	vtrunc.f32 v39;
	v49 =	vtrunc.f32 v41  }
0xcf: {  	v54 =	vtrunc.f32 v47;
	v57 =	vtrunc.f32 v51  }
0xd0: {  	vm1 =	vge.f32 v19, $0.0e+00;
	v22 =	vcvt.f32.s32 v34;
	v27 =	vcvt.f32.s32 v43  }
0xd1: {  	vm2 =	vge.f32 v41, $0.0e+00;
	v23 =	vcvt.f32.s32 v35;
	v25 =	vcvt.f32.s32 v38  }
0xd2: {  	v26 =	vcvt.f32.s32 v54;
	v37 =	vshra.s32 v22, $0x3;
	v46 =	vshra.s32 v27, $0x3  }
0xd3: {  	v40 =	vshra.s32 v23, $0x3;
	v19 =	vand.u32 $0xFFFFFFC0, v37;
	v48 =	vand.u32 $0xFFFFFFC0, v46  }
0xd4: {  	v42 =	vshra.s32 v25, $0x3;
	v19 =	vadd.s32 v22, v19;
	v24 =	vadd.s32 v27, v48  }
0xd5: {  	v19 =	vsel vm1, v19, v9;
	vm1 =	vge.f32 v20, $0.0e+00;
	v20 =	vand.u32 $0xFFFFFFC0, v40  }
0xd6: {  	v20 =	vadd.s32 v23, v20;
	v23 =	vand.u32 $0xFFFFFFC0, v42;
	v55 =	vshll.u32 v19, $0x2  }
0xd7: {  	v56 =	vand.u32 $0x7, v19;
	v20 =	vsel vm1, v20, v10;
	vm1 =	vge.f32 v33, $0.0e+00  }
0xd8: {  	v44 =	vadd.s32 v25, v23;
	v23 =	vcvt.f32.s32 v45;
	v25 =	vcvt.f32.s32 v49  }
0xd9: {  	v27 =	vand.u32 $0xFFFFFFE0, v55;
	v21 =	vsel vm1, v44, v11;
	vm1 =	vge.f32 v36, $0.0e+00  }
0xda: {  	v58 =	vor.u32 v56, v27;
	[tilespmem:$0x90] =	vst v20;
	v20 =	vshra.s32 v26, $0x3;
	v50 =	vshra.s32 v23, $0x3  }
0xdb: {  	v24 =	vsel vm1, v24, v12;
	vm1 =	vge.f32 v39, $0.0e+00;
	v53 =	vshra.s32 v25, $0x3  }
0xdc: {  	v27 =	vperm.xlane v58, v0;
	v20 =	vand.u32 $0xFFFFFFC0, v20;
	v22 =	vand.u32 $0xFFFFFFC0, v53  }
0xdd: {  	[tilespmem:$0x80] =	vst v19;
	v52 =	vand.u32 $0xFFFFFFC0, v50;
	v19 =	vadd.s32 v25, v22;
	v22 =	vcvt.f32.s32 v57  }
0xde: {  	[tilespmem:$0xA0] =	vst v21;
	v63 =	vperm.xlane v58, v18;
	v20 =	vadd.s32 v26, v20;
	v23 =	vadd.s32 v23, v52  }
0xdf: {  	[tilespmem:$0xB0] =	vst v24;
	v61 =	vadd.s32 v17, v27;
	v59 =	vsel vm1, v23, v13;
	v60 =	vshra.s32 v22, $0x3  }
0xe0: {  	vm1 =	vge.f32 v47, $0.0e+00;
	v19 =	vsel vm2, v19, v14;
	[tilespmem:$0xC0] =	vst v59;
	v62 =	vand.u32 $0xFFFFFFC0, v60  }
0xe1: {  	v20 =	vsel vm1, v20, v15;
	[tilespmem:$0xD0] =	vst v19;
	vm1 =	vge.f32 v51, $0.0e+00;
	v19 =	vadd.s32 v22, v62  }
0xe2: {  	[tilespmem:$0xE0] =	vst v20;
	v19 =	vsel vm1, v19, v16  }
0xe3: {  	[tilespmem:$0xF0] =	vst v19;
	v19 =	vadd.s32 v17, v63  }
0xe4: {  	[tilespmem:s5], [sflag:$0x1] =	stream.indirect_vreg.gather [hbm4b:s3+s2], $0x80, v61, vm0, $0xb8;
	[tilespmem:$0x10100] =	vst v63  }
0xe5: {  	_ = 	snop  }
0xe6: {  	[tilespmem:s18], [sflag:$0x1] =	stream.indirect_vreg.gather [hbm4b:s4+s2], $0x80, v61, vm0, $0xb8;
	[tilespmem:$0x10100] =	vst v63  }
0xe7: {  	_ = 	snop  }
0xe8: {  	[tilespmem:s19], [sflag:$0x1] =	stream.indirect_vreg.gather [hbm4b:s3+s2], $0x80, v19, vm0, $0xb8;
	[tilespmem:$0x10100] =	vst v63  }
0xe9: {  	_ = 	snop  }
0xea: {  	[tilespmem:s20], [sflag:$0x1] =	stream.indirect_vreg.gather [hbm4b:s4+s2], $0x80, v19, vm0, $0xb8;
	[tilespmem:$0x10100] =	vst v63  }
0xeb: {  	v19 =	vld [tilespmem:$0x90];
	_ =	sdelay $0x4  }
0xec: {  	v20 =	vshll.u32 v19, $0x2  }
0xed: {  	v19 =	vand.u32 $0x7, v19;
	v20 =	vand.u32 $0xFFFFFFE0, v20  }
0xee: {  	v19 =	vor.u32 v19, v20  }
0xef: {  	v20 =	vperm.xlane v19, v0;
	_ =	sdelay $0x1  }
0xf0: {  	v20 =	vadd.s32 v17, v20;
	_ =	sdelay $0x1  }
0xf1: {  	v19 =	vperm.xlane v19, v18;
	_ =	sdelay $0x1  }
0xf2: {  	v19 =	vadd.s32 v17, v19  }
0xf3: {  	[tilespmem:s21], [sflag:$0x1] =	stream.indirect_vreg.gather [hbm4b:s3+s2], $0x80, v20, vm0, $0xb8;
	[tilespmem:$0x10100] =	vst v63  }
0xf4: {  	_ = 	snop  }
0xf5: {  	[tilespmem:s22], [sflag:$0x1] =	stream.indirect_vreg.gather [hbm4b:s4+s2], $0x80, v20, vm0, $0xb8;
	[tilespmem:$0x10100] =	vst v63  }
0xf6: {  	_ = 	snop  }
0xf7: {  	[tilespmem:s23], [sflag:$0x1] =	stream.indirect_vreg.gather [hbm4b:s3+s2], $0x80, v19, vm0, $0xb8;
	[tilespmem:$0x10100] =	vst v63  }
0xf8: {  	_ = 	snop  }
0xf9: {  	[tilespmem:s24], [sflag:$0x1] =	stream.indirect_vreg.gather [hbm4b:s4+s2], $0x80, v19, vm0, $0xb8;
	[tilespmem:$0x10100] =	vst v63  }
0xfa: {  	v19 =	vld [tilespmem:$0xA0];
	_ =	sdelay $0x4  }
0xfb: {  	v20 =	vshll.u32 v19, $0x2  }
0xfc: {  	v19 =	vand.u32 $0x7, v19;
	v20 =	vand.u32 $0xFFFFFFE0, v20  }
0xfd: {  	v19 =	vor.u32 v19, v20  }
0xfe: {  	v20 =	vperm.xlane v19, v0;
	_ =	sdelay $0x1  }
0xff: {  	v20 =	vadd.s32 v17, v20;
	_ =	sdelay $0x1  }
0x100: {  	v19 =	vperm.xlane v19, v18;
	_ =	sdelay $0x1  }
0x101: {  	v19 =	vadd.s32 v17, v19  }
0x102: {  	[tilespmem:s25], [sflag:$0x1] =	stream.indirect_vreg.gather [hbm4b:s3+s2], $0x80, v20, vm0, $0xb8;
	[tilespmem:$0x10100] =	vst v63  }
0x103: {  	_ = 	snop  }
0x104: {  	[tilespmem:s26], [sflag:$0x1] =	stream.indirect_vreg.gather [hbm4b:s4+s2], $0x80, v20, vm0, $0xb8;
	[tilespmem:$0x10100] =	vst v63  }
0x105: {  	_ = 	snop  }
0x106: {  	[tilespmem:s28], [sflag:$0x1] =	stream.indirect_vreg.gather [hbm4b:s3+s2], $0x80, v19, vm0, $0xb8;
	[tilespmem:$0x10100] =	vst v63  }
0x107: {  	_ = 	snop  }
0x108: {  	[tilespmem:s29], [sflag:$0x1] =	stream.indirect_vreg.gather [hbm4b:s4+s2], $0x80, v19, vm0, $0xb8;
	[tilespmem:$0x10100] =	vst v63  }
0x109: {  	v19 =	vld [tilespmem:$0xB0];
	_ =	sdelay $0x4  }
0x10a: {  	v20 =	vshll.u32 v19, $0x2  }
0x10b: {  	v19 =	vand.u32 $0x7, v19;
	v20 =	vand.u32 $0xFFFFFFE0, v20  }
0x10c: {  	v19 =	vor.u32 v19, v20  }
0x10d: {  	v20 =	vperm.xlane v19, v0;
	_ =	sdelay $0x1  }
0x10e: {  	v20 =	vadd.s32 v17, v20;
	_ =	sdelay $0x1  }
0x10f: {  	v19 =	vperm.xlane v19, v18;
	_ =	sdelay $0x1  }
0x110: {  	v19 =	vadd.s32 v17, v19  }
0x111: {  	[tilespmem:s30], [sflag:$0x1] =	stream.indirect_vreg.gather [hbm4b:s3+s2], $0x80, v20, vm0, $0xb8;
	[tilespmem:$0x10100] =	vst v63  }
0x112: {  	_ = 	snop  }
0x113: {  	[tilespmem:s31], [sflag:$0x1] =	stream.indirect_vreg.gather [hbm4b:s4+s2], $0x80, v20, vm0, $0xb8;
	[tilespmem:$0x10100] =	vst v63  }
0x114: {  	_ = 	snop  }
0x115: {  	[tilespmem:s1], [sflag:$0x1] =	stream.indirect_vreg.gather [hbm4b:s3+s2], $0x80, v19, vm0, $0xb8;
	[tilespmem:$0x10100] =	vst v63  }
0x116: {  	_ = 	snop  }
0x117: {  	[tilespmem:s0], [sflag:$0x1] =	stream.indirect_vreg.gather [hbm4b:s4+s2], $0x80, v19, vm0, $0xb8;
	[tilespmem:$0x10100] =	vst v63  }
0x118: {  	v19 =	vld [tilespmem:$0xC0];
	_ =	sdelay $0x4  }
0x119: {  	v20 =	vshll.u32 v19, $0x2  }
0x11a: {  	v19 =	vand.u32 $0x7, v19;
	v20 =	vand.u32 $0xFFFFFFE0, v20  }
0x11b: {  	v19 =	vor.u32 v19, v20  }
0x11c: {  	v20 =	vperm.xlane v19, v0;
	_ =	sdelay $0x1  }
0x11d: {  	v20 =	vadd.s32 v17, v20;
	_ =	sdelay $0x1  }
0x11e: {  	v19 =	vperm.xlane v19, v18;
	_ =	sdelay $0x1  }
0x11f: {  	v19 =	vadd.s32 v17, v19  }
0x120: {  	[tilespmem:s9], [sflag:$0x1] =	stream.indirect_vreg.gather [hbm4b:s3+s2], $0x80, v20, vm0, $0xb8;
	[tilespmem:$0x10100] =	vst v63  }
0x121: {  	_ = 	snop  }
0x122: {  	[tilespmem:s10], [sflag:$0x1] =	stream.indirect_vreg.gather [hbm4b:s4+s2], $0x80, v20, vm0, $0xb8;
	[tilespmem:$0x10100] =	vst v63  }
0x123: {  	_ = 	snop  }
0x124: {  	[tilespmem:s11], [sflag:$0x1] =	stream.indirect_vreg.gather [hbm4b:s3+s2], $0x80, v19, vm0, $0xb8;
	[tilespmem:$0x10100] =	vst v63  }
0x125: {  	_ = 	snop  }
0x126: {  	[tilespmem:s12], [sflag:$0x1] =	stream.indirect_vreg.gather [hbm4b:s4+s2], $0x80, v19, vm0, $0xb8;
	[tilespmem:$0x10100] =	vst v63  }
0x127: {  	v19 =	vld [tilespmem:$0xD0];
	_ =	sdelay $0x4  }
0x128: {  	v20 =	vshll.u32 v19, $0x2  }
0x129: {  	v19 =	vand.u32 $0x7, v19;
	v20 =	vand.u32 $0xFFFFFFE0, v20  }
0x12a: {  	v19 =	vor.u32 v19, v20  }
0x12b: {  	v20 =	vperm.xlane v19, v0;
	_ =	sdelay $0x1  }
0x12c: {  	v20 =	vadd.s32 v17, v20;
	_ =	sdelay $0x1  }
0x12d: {  	v19 =	vperm.xlane v19, v18;
	_ =	sdelay $0x1  }
0x12e: {  	v19 =	vadd.s32 v17, v19  }
0x12f: {  	[tilespmem:s13], [sflag:$0x1] =	stream.indirect_vreg.gather [hbm4b:s3+s2], $0x80, v20, vm0, $0xb8;
	[tilespmem:$0x10100] =	vst v63  }
0x130: {  	_ = 	snop  }
0x131: {  	[tilespmem:s14], [sflag:$0x1] =	stream.indirect_vreg.gather [hbm4b:s4+s2], $0x80, v20, vm0, $0xb8;
	[tilespmem:$0x10100] =	vst v63  }
0x132: {  	_ = 	snop  }
0x133: {  	[tilespmem:s15], [sflag:$0x1] =	stream.indirect_vreg.gather [hbm4b:s3+s2], $0x80, v19, vm0, $0xb8;
	[tilespmem:$0x10100] =	vst v63  }
0x134: {  	_ = 	snop  }
0x135: {  	[tilespmem:s8], [sflag:$0x1] =	stream.indirect_vreg.gather [hbm4b:s4+s2], $0x80, v19, vm0, $0xb8;
	[tilespmem:$0x10100] =	vst v63  }
0x136: {  	v19 =	vld [tilespmem:$0xE0];
	_ =	sdelay $0x4  }
0x137: {  	v20 =	vshll.u32 v19, $0x2  }
0x138: {  	v19 =	vand.u32 $0x7, v19;
	v20 =	vand.u32 $0xFFFFFFE0, v20  }
0x139: {  	v19 =	vor.u32 v19, v20  }
0x13a: {  	v20 =	vperm.xlane v19, v0;
	_ =	sdelay $0x1  }
0x13b: {  	v20 =	vadd.s32 v17, v20;
	_ =	sdelay $0x1  }
0x13c: {  	v19 =	vperm.xlane v19, v18;
	_ =	sdelay $0x1  }
0x13d: {  	s17 =	simm.s32 $0xC100;
	v19 =	vadd.s32 v17, v19  }
0x13e: {  	[tilespmem:s17], [sflag:$0x1] =	stream.indirect_vreg.gather [hbm4b:s3+s2], $0x80, v20, vm0, $0xb8;
	[tilespmem:$0x10100] =	vst v63  }
0x13f: {  	s18 =	simm.s32 $0xC900  }
0x140: {  	[tilespmem:s18], [sflag:$0x1] =	stream.indirect_vreg.gather [hbm4b:s4+s2], $0x80, v20, vm0, $0xb8;
	[tilespmem:$0x10100] =	vst v63  }
0x141: {  	s17 =	simm.s32 $0xD100  }
0x142: {  	[tilespmem:s17], [sflag:$0x1] =	stream.indirect_vreg.gather [hbm4b:s3+s2], $0x80, v19, vm0, $0xb8;
	[tilespmem:$0x10100] =	vst v63  }
0x143: {  	s18 =	simm.s32 $0xD900  }
0x144: {  	[tilespmem:s18], [sflag:$0x1] =	stream.indirect_vreg.gather [hbm4b:s4+s2], $0x80, v19, vm0, $0xb8;
	[tilespmem:$0x10100] =	vst v63  }
0x145: {  	v19 =	vld [tilespmem:$0xF0];
	_ =	sdelay $0x4  }
0x146: {  	v20 =	vshll.u32 v19, $0x2  }
0x147: {  	v19 =	vand.u32 $0x7, v19;
	v20 =	vand.u32 $0xFFFFFFE0, v20  }
0x148: {  	v19 =	vor.u32 v19, v20  }
0x149: {  	v20 =	vperm.xlane v19, v0;
	_ =	sdelay $0x1  }
0x14a: {  	v20 =	vadd.s32 v17, v20;
	_ =	sdelay $0x1  }
0x14b: {  	v19 =	vperm.xlane v19, v18;
	_ =	sdelay $0x1  }
0x14c: {  	s17 =	simm.s32 $0xE100;
	v19 =	vadd.s32 v17, v19  }
0x14d: {  	[tilespmem:s17], [sflag:$0x1] =	stream.indirect_vreg.gather [hbm4b:s3+s2], $0x80, v20, vm0, $0xb8;
	[tilespmem:$0x10100] =	vst v63  }
0x14e: {  	s18 =	simm.s32 $0xE900  }
0x14f: {  	[tilespmem:s18], [sflag:$0x1] =	stream.indirect_vreg.gather [hbm4b:s4+s2], $0x80, v20, vm0, $0xb8;
	[tilespmem:$0x10100] =	vst v63  }
0x150: {  	s17 =	simm.s32 $0xF100  }
0x151: {  	[tilespmem:s17], [sflag:$0x1] =	stream.indirect_vreg.gather [hbm4b:s3+s2], $0x80, v19, vm0, $0xb8;
	[tilespmem:$0x10100] =	vst v63  }
0x152: {  	s18 =	simm.s32 $0xF900  }
0x153: {  	[tilespmem:s18], [sflag:$0x1] =	stream.indirect_vreg.gather [hbm4b:s4+s2], $0x80, v19, vm0, $0xb8;
	[tilespmem:$0x10100] =	vst v63  }
0x154: {  	_ =	swait.ge [sflag:s16], $0x10000  }
0x155: {  	s17 =	simm.s32 @p0 $0x0;
	[sflag:s16] =	ssyncset.done $0x0  }
0x156: {  	s18 =	simm.s32 @p0 $0x100;
	s0 =	rddreg [dreg:$0x6];
	[sflag:s16] =	ssyncadd.s32 $0xFFFF0000  }
0x157: {  	[hbm4b:s0+s17] =	stream.linear.scatter @p0 [tilespmem:s18], [sflag:$0x2], $0xD000, $0x38;
	[tilespmem:$0x10100] =	vst v63  }
0x158: {  	s17 =	simm.s32 @p0 $0x2  }
0x159: {  	s6 =	sadd.s32 $0xFFFFFFFF, s6;
	_ =	swait.ge @p0 [sflag:s17], $0xD000  }
0x15a: {  	p1 =	sne.s32 s6, $0x0;
	[sflag:s17] =	ssyncset.done @p0 $0x0  }
0x15b: {  	s18 =	simm.s32 @!p0 $0x100;
	[sflag:s17] =	ssyncadd.s32 @p0 $0xFFFF3000;
	s17 =	simm.s32 @!p0 $0x0  }
0x15c: {  	[hbm4b:s0+s17] =	stream.linear.scatter @!p0 [tilespmem:s18], [sflag:$0x2], $0x10000, $0x38;
	[tilespmem:$0x10100] =	vst v63  }
.Ltmp0:
0x15d: {  	_ = 	snop;
	(pc) =	sbr.rel @p1 .LBB2_1-.Ltmp0, $4  }
0x15e: {  	s17 =	simm.s32 @!p0 $0x2  }
0x15f: {  	_ =	swait.ge @!p0 [sflag:s17], $0x10000  }
0x160: {  	[sflag:s17] =	ssyncset.done @!p0 $0x0  }
0x161: {  	[sflag:s17] =	ssyncadd.s32 @!p0 $0xFFFF0000  }
0x162: {  	_ =	sfence.sel $0x180000  }
0x163: {  	[bflag:$0x0] =	sbarrier.arrive $0xFFFF  }
0x164: {  	_ =	strace $0x90000047  }
0x165: {  	s0 =	stileid.u32;
	[bflag:$0x2] =	sbarrier.arrive $0xFFFF  }
0x166: {  	p0 =	sne.s32 s0, $0x0;
	s0 =	rddreg [dreg:$0x2]  }
0x167: {  	s0 =	sadd.s32 @!p0 $0x100000, s0  }
0x168: {  	[sflag:s0] =	ssyncadd.tile.s32 @!p0 $0x1;
	_ =	shalt  }
.Lfunc_end2:
_tile_overlayer_lowered:
.L_overlay_start_2:
0x169: {  	(tag) =	ssettag $0x2  }
0x16a: {  	s0 =	rddreg [dreg:$0x0];
	s2 =	stileid.u32  }
0x16b: {  	s1 =	rddreg [dreg:$0x1];
	p0 =	sne.s32 s2, $0x0  }
0x16c: {  	s3 =	rddreg [dreg:$0x2];
	[bflag:$0x3] =	sbarrier.arrive $0xFFFF;
	s2 =	simm.s32 @!p0 $0x1C02  }
0x16d: {  	[timem:s3], [sflag:s2] =	dma.local @!p0 [hbm:s0], s1  }
0x16e: {  	s0 =	simm.s32 @!p0 $0x2  }
0x16f: {  	_ =	swait.ge @!p0 [sflag:s0], s1  }
0x170: {  	s1 =	ssub.s32 @!p0 $0x0, s1;
	[sflag:s0] =	ssyncset.done @!p0 $0x0  }
0x171: {  	[sflag:s0] =	ssyncadd.s32 @!p0 s1  }
0x172: {  	[bflag:$0x3] =	sbarrier.arrive $0xFFFF  }
0x173: {  	_ =	shalt  }

</sc_bundles>
